<compile_context>
chip_gen: v7x
topology: tpu7x:2x2x1
jax: 0.10.2.dev20260603
libtpu: 0.0.44.dev20260713+nightly
codegen_flags: <defaults>
</compile_context>

<pallas_src>
import functools

import jax
import jax.numpy as jnp
from jax import lax
from jax.experimental import pallas as pl
from jax.experimental.pallas import tpu as pltpu
from jax.experimental.pallas import tpu_sc as plsc

N_NODES = 10000
N_EDGES = 320000
FEAT = 128


_TC_BLK = 1000


def _tables_body(x_ref, wt_ref, b_ref, y1_ref, y2_ref):
    xb = x_ref[...]
    w1 = wt_ref[:FEAT, :]
    w2 = wt_ref[FEAT:, :]
    y1_ref[...] = jnp.dot(xb, w1, preferred_element_type=jnp.float32)
    y2_ref[...] = jnp.dot(xb, w2, preferred_element_type=jnp.float32) + b_ref[...]


def _node_tables(x, Wt, b2):
    n = x.shape[0]
    return pl.pallas_call(
        _tables_body,
        grid=(n // _TC_BLK,),
        in_specs=[
            pl.BlockSpec((_TC_BLK, FEAT), lambda i: (i, 0)),
            pl.BlockSpec((2 * FEAT, FEAT), lambda i: (0, 0)),
            pl.BlockSpec((1, FEAT), lambda i: (0, 0)),
        ],
        out_specs=[
            pl.BlockSpec((_TC_BLK, FEAT), lambda i: (i, 0)),
            pl.BlockSpec((_TC_BLK, FEAT), lambda i: (i, 0)),
        ],
        out_shape=[
            jax.ShapeDtypeStruct((n, FEAT), jnp.float32),
            jax.ShapeDtypeStruct((n, FEAT), jnp.float32),
        ],
    )(x, Wt, b2)



_NW = 32
_PER_W = N_EDGES // _NW
_C = 200
_NCHUNK = _PER_W // _C
_VECS = FEAT // 16


@functools.partial(
    pl.kernel,
    out_type=jax.ShapeDtypeStruct((N_EDGES, FEAT), jnp.float32),
    mesh=plsc.VectorSubcoreMesh(core_axis_name="c", subcore_axis_name="s"),
    scratch_types=[
        pltpu.VMEM((_PER_W,), jnp.int32),
        pltpu.VMEM((_PER_W,), jnp.int32),
        pltpu.VMEM((_C, FEAT), jnp.float32),
        pltpu.VMEM((_C, FEAT), jnp.float32),
        pltpu.VMEM((_C, FEAT), jnp.float32),
        pltpu.VMEM((_C, FEAT), jnp.float32),
        pltpu.SemaphoreType.DMA,
        pltpu.SemaphoreType.DMA,
        pltpu.SemaphoreType.DMA,
        pltpu.SemaphoreType.DMA,
    ],
)
def _sc_edges(y1_hbm, y2_hbm, src_hbm, dst_hbm, out_hbm,
              src_all, dst_all, rows_a0, rows_b0, rows_a1, rows_b1,
              sem_g0, sem_g1, sem_o0, sem_o1):
    wid = lax.axis_index("s") * 2 + lax.axis_index("c")
    base_w = wid * _PER_W

    rows_a = (rows_a0, rows_a1)
    rows_b = (rows_b0, rows_b1)
    sem_g = (sem_g0, sem_g1)
    sem_o = (sem_o0, sem_o1)

    pltpu.sync_copy(src_hbm.at[pl.ds(base_w, _PER_W)], src_all)
    pltpu.sync_copy(dst_hbm.at[pl.ds(base_w, _PER_W)], dst_all)

    def gather_start(c, k):
        off = c * _C
        pltpu.async_copy(y1_hbm.at[src_all.at[pl.ds(off, _C)]], rows_a[k], sem_g[k])
        pltpu.async_copy(y2_hbm.at[dst_all.at[pl.ds(off, _C)]], rows_b[k], sem_g[k])

    def gather_wait(k):
        pltpu.make_async_copy(y1_hbm.at[pl.ds(0, _C)], rows_a[k], sem_g[k]).wait()
        pltpu.make_async_copy(y2_hbm.at[pl.ds(0, _C)], rows_b[k], sem_g[k]).wait()

    def out_wait(k):
        pltpu.make_async_copy(rows_a[k], out_hbm.at[pl.ds(0, _C)], sem_o[k]).wait()

    def compute(k):
        ra, rb = rows_a[k], rows_b[k]

        def row_body(i, carry2):
            e = i * 4
            for r in range(4):
                for j in range(_VECS):
                    sl = pl.ds(j * 16, 16)
                    ra[e + r, sl] = jnp.maximum(ra[e + r, sl] + rb[e + r, sl],
                                                0.0)
            return carry2

        lax.fori_loop(0, _C // 4, row_body, 0, unroll=False)

    gather_start(0, 0)

    def pair_body(g, carry):
        for k in range(2):
            c = 2 * g + k

            @pl.when(c >= 1)
            def _():
                out_wait(1 - k)

            @pl.when(c < _NCHUNK - 1)
            def _():
                gather_start(c + 1, 1 - k)

            gather_wait(k)
            compute(k)
            pltpu.async_copy(rows_a[k], out_hbm.at[pl.ds(base_w + c * _C, _C)],
                             sem_o[k])
        return carry

    lax.fori_loop(0, _NCHUNK // 2, pair_body, 0, unroll=False)
    out_wait(1)


def kernel(x, edge_index, W, b):
    src = edge_index[0].astype(jnp.int32)
    dst = edge_index[1].astype(jnp.int32)
    y1, y2 = _node_tables(x, W.T, b.reshape(1, FEAT))
    return _sc_edges(y1, y2, src, dst)

# --- scband reference (transcript-rebuilt; emitter-appended) ---
"""Pipeline reference for scband-rel-edge-layer-13073880449189 (READ-ONLY COPY).

The authoritative reference and input builder live on the scoring server;
editing this copy changes nothing except your own understanding.
"""

import jax, jax.numpy as jnp
import numpy as np

NODE_FEAT = 128
EDGE_FEAT = 128
N_NODES = 10000
N_EDGES = 320000

def setup_inputs(seed: int = 0) -> dict:
    key = jax.random.key(seed)
    k1, k2, k3, k4, k5 = jax.random.split(key, 5)
    x = jax.random.normal(k1, (N_NODES, NODE_FEAT), dtype=jnp.float32)
    edge_index = jax.random.randint(k2, (2, N_EDGES), 0, N_NODES, dtype=jnp.int64 if jax.config.jax_enable_x64 else jnp.int32)
    # Linear(node_feat*2 -> edge_feat): W [edge_feat, 2*node_feat], b [edge_feat]
    bound = 1.0 / np.sqrt(2 * NODE_FEAT)
    W = jax.random.uniform(k3, (EDGE_FEAT, 2 * NODE_FEAT), minval=-bound, maxval=bound, dtype=jnp.float32)
    b = jax.random.uniform(k4, (EDGE_FEAT,), minval=-bound, maxval=bound, dtype=jnp.float32)
    return {"x": x, "edge_index": edge_index, "W": W, "b": b}

def reference(x, edge_index, W, b):
    # DGL apply_edges: for each edge, concat src and dst node features,
    # linear map to edge_feat, then activation (relu). Dropout is identity (p=0 / eval).
    src = edge_index[0]
    dst = edge_index[1]
    h_src = jnp.take(x, src, axis=0)          # gather [E, node_feat]
    h_dst = jnp.take(x, dst, axis=0)          # gather [E, node_feat]
    h = jnp.concatenate([h_src, h_dst], axis=-1)  # [E, 2*node_feat]
    out = jax.nn.relu(h @ W.T + b)            # [E, edge_feat]
    return out

if __name__ == "__main__":
    import jax
    _d = setup_inputs()
    print(jax.jit(kernel)(*tuple(_d.values())))

</pallas_src>

<mosaic_0001>
#map = affine_map<(d0, d1) -> (0, 0)>
#map1 = affine_map<(d0, d1) -> (0)>
module attributes {stable_mosaic.version = 14 : i64} {
  func.func @_sc_edges(%arg0: i32, %arg1: i32, %arg2: memref<10000x128xf32, #tpu.memory_space<hbm>>, %arg3: memref<10000x128xf32, #tpu.memory_space<hbm>>, %arg4: memref<320000xi32, #tpu.memory_space<hbm>>, %arg5: memref<320000xi32, #tpu.memory_space<hbm>>, %arg6: memref<320000x128xf32, #tpu.memory_space<hbm>>, %arg7: memref<10000xi32, #tpu.memory_space<vmem>>, %arg8: memref<10000xi32, #tpu.memory_space<vmem>>, %arg9: memref<200x128xf32, #tpu.memory_space<vmem>>, %arg10: memref<200x128xf32, #tpu.memory_space<vmem>>, %arg11: memref<200x128xf32, #tpu.memory_space<vmem>>, %arg12: memref<200x128xf32, #tpu.memory_space<vmem>>, %arg13: memref<!tpu.dma_semaphore, #tpu.memory_space<semaphore_mem>>, %arg14: memref<!tpu.dma_semaphore, #tpu.memory_space<semaphore_mem>>, %arg15: memref<!tpu.dma_semaphore, #tpu.memory_space<semaphore_mem>>, %arg16: memref<!tpu.dma_semaphore, #tpu.memory_space<semaphore_mem>>) attributes {dimension_semantics = [#tpu.dimension_semantics<core_parallel>, #tpu.dimension_semantics<subcore_parallel>], iteration_bounds = array<i64: 2, 16>, scalar_prefetch = 0 : i64, scratch_operands = 10 : i64, tpu.core_type = #tpu.core_type<sc_vector_subcore>, window_params = [{transform_indices = #map}, {transform_indices = #map}, {transform_indices = #map1}, {transform_indices = #map1}, {transform_indices = #map}]} {
    %mul3A = arith.constant 2 : i32
    %mul3A_0 = arith.muli %arg1, %mul3A : i32
    %add3A = arith.addi %mul3A_0, %arg0 : i32
    %mul3A_1 = arith.constant 10000 : i32
    %mul3A_2 = arith.muli %add3A, %mul3A_1 : i32
    "tpu.region"() ({
      %run_scoped3A = tpu.sem_alloc : memref<!tpu.dma_semaphore, #tpu.memory_space<semaphore_mem>>
      %dma_start3A_22 = tpu.memref_slice %arg4[%mul3A_2] : memref<320000xi32, #tpu.memory_space<hbm>> -> memref<10000xi32, #tpu.memory_space<hbm>>
      %dma_start3A_23 = tpu.memref_slice %arg4[%mul3A_2] : memref<320000xi32, #tpu.memory_space<hbm>> -> memref<10000xi32, #tpu.memory_space<hbm>>
      tpu.enqueue_dma source(%dma_start3A_23 : memref<10000xi32, #tpu.memory_space<hbm>>) target(%arg7 : memref<10000xi32, #tpu.memory_space<vmem>>) target_semaphore(%run_scoped3A : memref<!tpu.dma_semaphore, #tpu.memory_space<semaphore_mem>>)
      %dma_wait3A_24 = tpu.memref_slice %arg4[%mul3A_2] : memref<320000xi32, #tpu.memory_space<hbm>> -> memref<10000xi32, #tpu.memory_space<hbm>>
      %dma_wait3A_25 = tpu.memref_slice %arg4[%mul3A_2] : memref<320000xi32, #tpu.memory_space<hbm>> -> memref<10000xi32, #tpu.memory_space<hbm>>
      tpu.wait_dma2 semaphore(%run_scoped3A : memref<!tpu.dma_semaphore, #tpu.memory_space<semaphore_mem>>) src(%dma_wait3A_25 : memref<10000xi32, #tpu.memory_space<hbm>>) dst(%arg7 : memref<10000xi32, #tpu.memory_space<vmem>>)
      tpu.yield
    }) : () -> ()
    "tpu.region"() ({
      %run_scoped3A = tpu.sem_alloc : memref<!tpu.dma_semaphore, #tpu.memory_space<semaphore_mem>>
      %dma_start3A_22 = tpu.memref_slice %arg5[%mul3A_2] : memref<320000xi32, #tpu.memory_space<hbm>> -> memref<10000xi32, #tpu.memory_space<hbm>>
      %dma_start3A_23 = tpu.memref_slice %arg5[%mul3A_2] : memref<320000xi32, #tpu.memory_space<hbm>> -> memref<10000xi32, #tpu.memory_space<hbm>>
      tpu.enqueue_dma source(%dma_start3A_23 : memref<10000xi32, #tpu.memory_space<hbm>>) target(%arg8 : memref<10000xi32, #tpu.memory_space<vmem>>) target_semaphore(%run_scoped3A : memref<!tpu.dma_semaphore, #tpu.memory_space<semaphore_mem>>)
      %dma_wait3A_24 = tpu.memref_slice %arg5[%mul3A_2] : memref<320000xi32, #tpu.memory_space<hbm>> -> memref<10000xi32, #tpu.memory_space<hbm>>
      %dma_wait3A_25 = tpu.memref_slice %arg5[%mul3A_2] : memref<320000xi32, #tpu.memory_space<hbm>> -> memref<10000xi32, #tpu.memory_space<hbm>>
      tpu.wait_dma2 semaphore(%run_scoped3A : memref<!tpu.dma_semaphore, #tpu.memory_space<semaphore_mem>>) src(%dma_wait3A_25 : memref<10000xi32, #tpu.memory_space<hbm>>) dst(%arg8 : memref<10000xi32, #tpu.memory_space<vmem>>)
      tpu.yield
    }) : () -> ()
    %dma_start3A = arith.constant 0 : i32
    %dma_start3A_3 = tpu.memref_slice %arg7[%dma_start3A] : memref<10000xi32, #tpu.memory_space<vmem>> -> memref<200xi32, #tpu.memory_space<vmem>>
    %dma_start3A_4 = arith.constant 0 : i32
    %dma_start3A_5 = arith.constant 0 : i32
    %dma_start3A_6 = tpu.memref_slice %arg2[%dma_start3A_4, %dma_start3A_5] : memref<10000x128xf32, #tpu.memory_space<hbm>> -> memref<10000x128xf32, #tpu.memory_space<hbm>>
    tpu.enqueue_indirect_dma source(%dma_start3A_6 : memref<10000x128xf32, #tpu.memory_space<hbm>>) target(%arg9 : memref<200x128xf32, #tpu.memory_space<vmem>>) offsets(%dma_start3A_3 : memref<200xi32, #tpu.memory_space<vmem>>) semaphore(%arg13 : memref<!tpu.dma_semaphore, #tpu.memory_space<semaphore_mem>>)
    %dma_start3A_7 = arith.constant 0 : i32
    %dma_start3A_8 = tpu.memref_slice %arg8[%dma_start3A_7] : memref<10000xi32, #tpu.memory_space<vmem>> -> memref<200xi32, #tpu.memory_space<vmem>>
    %dma_start3A_9 = arith.constant 0 : i32
    %dma_start3A_10 = arith.constant 0 : i32
    %dma_start3A_11 = tpu.memref_slice %arg3[%dma_start3A_9, %dma_start3A_10] : memref<10000x128xf32, #tpu.memory_space<hbm>> -> memref<10000x128xf32, #tpu.memory_space<hbm>>
    tpu.enqueue_indirect_dma source(%dma_start3A_11 : memref<10000x128xf32, #tpu.memory_space<hbm>>) target(%arg10 : memref<200x128xf32, #tpu.memory_space<vmem>>) offsets(%dma_start3A_8 : memref<200xi32, #tpu.memory_space<vmem>>) semaphore(%arg13 : memref<!tpu.dma_semaphore, #tpu.memory_space<semaphore_mem>>)
    %scan3A = arith.constant 0 : i32
    %scan3A_12 = arith.constant 0 : i32
    %scan3A_13 = arith.constant 25 : i32
    %scan3A_14 = arith.addi %scan3A_12, %scan3A_13 : i32
    %scan3A_15 = arith.constant 1 : i32
    scf.for %scan3A_22 = %scan3A_12 to %scan3A_14 step %scan3A_15  : i32 {
      %mul3A_23 = arith.constant 2 : i32
      %mul3A_24 = arith.muli %mul3A_23, %scan3A_22 : i32
      %add3A_25 = arith.constant 0 : i32
      %add3A_26 = arith.addi %mul3A_24, %add3A_25 : i32
      %ge3A = arith.constant 1 : i32
      %ge3A_27 = arith.cmpi sge, %add3A_26, %ge3A : i32
      %convert_element_type3A = arith.extui %ge3A_27 : i1 to i32
      %cond3A = arith.constant 0 : i32
      %cond3A_28 = arith.cmpi ne, %convert_element_type3A, %cond3A : i32
      scf.if %cond3A_28 {
        %dma_wait3A_97 = arith.constant 0 : i32
        %dma_wait3A_98 = arith.constant 0 : i32
        %dma_wait3A_99 = tpu.memref_slice %arg6[%dma_wait3A_97, %dma_wait3A_98] : memref<320000x128xf32, #tpu.memory_space<hbm>> -> memref<200x128xf32, #tpu.memory_space<hbm>>
        %dma_wait3A_100 = arith.constant 0 : i32
        %dma_wait3A_101 = arith.constant 0 : i32
        %dma_wait3A_102 = tpu.memref_slice %arg6[%dma_wait3A_100, %dma_wait3A_101] : memref<320000x128xf32, #tpu.memory_space<hbm>> -> memref<200x128xf32, #tpu.memory_space<hbm>>
        tpu.wait_dma2 semaphore(%arg16 : memref<!tpu.dma_semaphore, #tpu.memory_space<semaphore_mem>>) src(%arg11 : memref<200x128xf32, #tpu.memory_space<vmem>>) dst(%dma_wait3A_102 : memref<200x128xf32, #tpu.memory_space<hbm>>)
      } else {
      }
      %lt3A = arith.constant 49 : i32
      %lt3A_29 = arith.cmpi slt, %add3A_26, %lt3A : i32
      %convert_element_type3A_30 = arith.extui %lt3A_29 : i1 to i32
      %cond3A_31 = arith.constant 0 : i32
      %cond3A_32 = arith.cmpi ne, %convert_element_type3A_30, %cond3A_31 : i32
      scf.if %cond3A_32 {
        %add3A_97 = arith.constant 1 : i32
        %add3A_98 = arith.addi %add3A_26, %add3A_97 : i32
        %mul3A_99 = arith.constant 200 : i32
        %mul3A_100 = arith.muli %add3A_98, %mul3A_99 : i32
        %dma_start3A_101 = tpu.memref_slice %arg7[%mul3A_100] : memref<10000xi32, #tpu.memory_space<vmem>> -> memref<200xi32, #tpu.memory_space<vmem>>
        %dma_start3A_102 = arith.constant 0 : i32
        %dma_start3A_103 = arith.constant 0 : i32
        %dma_start3A_104 = tpu.memref_slice %arg2[%dma_start3A_102, %dma_start3A_103] : memref<10000x128xf32, #tpu.memory_space<hbm>> -> memref<10000x128xf32, #tpu.memory_space<hbm>>
        tpu.enqueue_indirect_dma source(%dma_start3A_104 : memref<10000x128xf32, #tpu.memory_space<hbm>>) target(%arg11 : memref<200x128xf32, #tpu.memory_space<vmem>>) offsets(%dma_start3A_101 : memref<200xi32, #tpu.memory_space<vmem>>) semaphore(%arg14 : memref<!tpu.dma_semaphore, #tpu.memory_space<semaphore_mem>>)
        %dma_start3A_105 = tpu.memref_slice %arg8[%mul3A_100] : memref<10000xi32, #tpu.memory_space<vmem>> -> memref<200xi32, #tpu.memory_space<vmem>>
        %dma_start3A_106 = arith.constant 0 : i32
        %dma_start3A_107 = arith.constant 0 : i32
        %dma_start3A_108 = tpu.memref_slice %arg3[%dma_start3A_106, %dma_start3A_107] : memref<10000x128xf32, #tpu.memory_space<hbm>> -> memref<10000x128xf32, #tpu.memory_space<hbm>>
        tpu.enqueue_indirect_dma source(%dma_start3A_108 : memref<10000x128xf32, #tpu.memory_space<hbm>>) target(%arg12 : memref<200x128xf32, #tpu.memory_space<vmem>>) offsets(%dma_start3A_105 : memref<200xi32, #tpu.memory_space<vmem>>) semaphore(%arg14 : memref<!tpu.dma_semaphore, #tpu.memory_space<semaphore_mem>>)
      } else {
      }
      %dma_wait3A_33 = arith.constant 0 : i32
      %dma_wait3A_34 = arith.constant 0 : i32
      %dma_wait3A_35 = tpu.memref_slice %arg2[%dma_wait3A_33, %dma_wait3A_34] : memref<10000x128xf32, #tpu.memory_space<hbm>> -> memref<200x128xf32, #tpu.memory_space<hbm>>
      %dma_wait3A_36 = arith.constant 0 : i32
      %dma_wait3A_37 = arith.constant 0 : i32
      %dma_wait3A_38 = tpu.memref_slice %arg2[%dma_wait3A_36, %dma_wait3A_37] : memref<10000x128xf32, #tpu.memory_space<hbm>> -> memref<200x128xf32, #tpu.memory_space<hbm>>
      tpu.wait_dma2 semaphore(%arg13 : memref<!tpu.dma_semaphore, #tpu.memory_space<semaphore_mem>>) src(%dma_wait3A_38 : memref<200x128xf32, #tpu.memory_space<hbm>>) dst(%arg9 : memref<200x128xf32, #tpu.memory_space<vmem>>)
      %dma_wait3A_39 = arith.constant 0 : i32
      %dma_wait3A_40 = arith.constant 0 : i32
      %dma_wait3A_41 = tpu.memref_slice %arg3[%dma_wait3A_39, %dma_wait3A_40] : memref<10000x128xf32, #tpu.memory_space<hbm>> -> memref<200x128xf32, #tpu.memory_space<hbm>>
      %dma_wait3A_42 = arith.constant 0 : i32
      %dma_wait3A_43 = arith.constant 0 : i32
      %dma_wait3A_44 = tpu.memref_slice %arg3[%dma_wait3A_42, %dma_wait3A_43] : memref<10000x128xf32, #tpu.memory_space<hbm>> -> memref<200x128xf32, #tpu.memory_space<hbm>>
      tpu.wait_dma2 semaphore(%arg13 : memref<!tpu.dma_semaphore, #tpu.memory_space<semaphore_mem>>) src(%dma_wait3A_44 : memref<200x128xf32, #tpu.memory_space<hbm>>) dst(%arg10 : memref<200x128xf32, #tpu.memory_space<vmem>>)
      %scan3A_45 = arith.constant 0 : i32
      %scan3A_46 = arith.constant 0 : i32
      %scan3A_47 = arith.constant 50 : i32
      %scan3A_48 = arith.addi %scan3A_46, %scan3A_47 : i32
      %scan3A_49 = arith.constant 1 : i32
      scf.for %scan3A_97 = %scan3A_46 to %scan3A_48 step %scan3A_49  : i32 {
        %mul3A_98 = arith.constant 4 : i32
        %mul3A_99 = arith.muli %scan3A_97, %mul3A_98 : i32
        %add3A_100 = arith.constant 0 : i32
        %add3A_101 = arith.addi %mul3A_99, %add3A_100 : i32
        %get3A = arith.index_cast %add3A_101 : i32 to index
        %get3A_102 = arith.constant 0 : index
        %get3A_103 = tpu.vector_load %arg9[%get3A, %get3A_102] {strides = array<i32>} : memref<200x128xf32, #tpu.memory_space<vmem>>, vector<1x16xf32>,
        %get3A_104 = vector.shape_cast %get3A_103 : vector<1x16xf32> to vector<16xf32>
        %add3A_105 = arith.constant 0 : i32
        %add3A_106 = arith.addi %mul3A_99, %add3A_105 : i32
        %get3A_107 = arith.index_cast %add3A_106 : i32 to index
        %get3A_108 = arith.constant 0 : index
        %get3A_109 = tpu.vector_load %arg10[%get3A_107, %get3A_108] {strides = array<i32>} : memref<200x128xf32, #tpu.memory_space<vmem>>, vector<1x16xf32>,
        %get3A_110 = vector.shape_cast %get3A_109 : vector<1x16xf32> to vector<16xf32>
        %add3A_111 = arith.addf %get3A_104, %get3A_110 : vector<16xf32>
        %max3A = arith.constant 0.000000e+00 : f32
        %max3A_112 = vector.broadcast %max3A : f32 to vector<16xf32>
        %max3A_113 = arith.maximumf %add3A_111, %max3A_112 : vector<16xf32>
        %add3A_114 = arith.constant 0 : i32
        %add3A_115 = arith.addi %mul3A_99, %add3A_114 : i32
        %swap3A = arith.index_cast %add3A_115 : i32 to index
        %swap3A_116 = arith.constant 0 : index
        %swap3A_117 = tpu.vector_load %arg9[%swap3A, %swap3A_116] {strides = array<i32>} : memref<200x128xf32, #tpu.memory_space<vmem>>, vector<1x16xf32>,
        %swap3A_118 = vector.shape_cast %swap3A_117 : vector<1x16xf32> to vector<16xf32>
        %swap3A_119 = vector.shape_cast %max3A_113 : vector<16xf32> to vector<1x16xf32>
        tpu.vector_store %arg9[%swap3A, %swap3A_116], %swap3A_119 {strides = array<i32>} : memref<200x128xf32, #tpu.memory_space<vmem>>, vector<1x16xf32>,
        %add3A_120 = arith.constant 0 : i32
        %add3A_121 = arith.addi %mul3A_99, %add3A_120 : i32
        %get3A_122 = arith.index_cast %add3A_121 : i32 to index
        %get3A_123 = arith.constant 16 : index
        %get3A_124 = tpu.vector_load %arg9[%get3A_122, %get3A_123] {strides = array<i32>} : memref<200x128xf32, #tpu.memory_space<vmem>>, vector<1x16xf32>,
        %get3A_125 = vector.shape_cast %get3A_124 : vector<1x16xf32> to vector<16xf32>
        %add3A_126 = arith.constant 0 : i32
        %add3A_127 = arith.addi %mul3A_99, %add3A_126 : i32
        %get3A_128 = arith.index_cast %add3A_127 : i32 to index
        %get3A_129 = arith.constant 16 : index
        %get3A_130 = tpu.vector_load %arg10[%get3A_128, %get3A_129] {strides = array<i32>} : memref<200x128xf32, #tpu.memory_space<vmem>>, vector<1x16xf32>,
        %get3A_131 = vector.shape_cast %get3A_130 : vector<1x16xf32> to vector<16xf32>
        %add3A_132 = arith.addf %get3A_125, %get3A_131 : vector<16xf32>
        %max3A_133 = arith.constant 0.000000e+00 : f32
        %max3A_134 = vector.broadcast %max3A_133 : f32 to vector<16xf32>
        %max3A_135 = arith.maximumf %add3A_132, %max3A_134 : vector<16xf32>
        %add3A_136 = arith.constant 0 : i32
        %add3A_137 = arith.addi %mul3A_99, %add3A_136 : i32
        %swap3A_138 = arith.index_cast %add3A_137 : i32 to index
        %swap3A_139 = arith.constant 16 : index
        %swap3A_140 = tpu.vector_load %arg9[%swap3A_138, %swap3A_139] {strides = array<i32>} : memref<200x128xf32, #tpu.memory_space<vmem>>, vector<1x16xf32>,
        %swap3A_141 = vector.shape_cast %swap3A_140 : vector<1x16xf32> to vector<16xf32>
        %swap3A_142 = vector.shape_cast %max3A_135 : vector<16xf32> to vector<1x16xf32>
        tpu.vector_store %arg9[%swap3A_138, %swap3A_139], %swap3A_142 {strides = array<i32>} : memref<200x128xf32, #tpu.memory_space<vmem>>, vector<1x16xf32>,
        %add3A_143 = arith.constant 0 : i32
        %add3A_144 = arith.addi %mul3A_99, %add3A_143 : i32
        %get3A_145 = arith.index_cast %add3A_144 : i32 to index
        %get3A_146 = arith.constant 32 : index
        %get3A_147 = tpu.vector_load %arg9[%get3A_145, %get3A_146] {strides = array<i32>} : memref<200x128xf32, #tpu.memory_space<vmem>>, vector<1x16xf32>,
        %get3A_148 = vector.shape_cast %get3A_147 : vector<1x16xf32> to vector<16xf32>
        %add3A_149 = arith.constant 0 : i32
        %add3A_150 = arith.addi %mul3A_99, %add3A_149 : i32
        %get3A_151 = arith.index_cast %add3A_150 : i32 to index
        %get3A_152 = arith.constant 32 : index
        %get3A_153 = tpu.vector_load %arg10[%get3A_151, %get3A_152] {strides = array<i32>} : memref<200x128xf32, #tpu.memory_space<vmem>>, vector<1x16xf32>,
        %get3A_154 = vector.shape_cast %get3A_153 : vector<1x16xf32> to vector<16xf32>
        %add3A_155 = arith.addf %get3A_148, %get3A_154 : vector<16xf32>
        %max3A_156 = arith.constant 0.000000e+00 : f32
        %max3A_157 = vector.broadcast %max3A_156 : f32 to vector<16xf32>
        %max3A_158 = arith.maximumf %add3A_155, %max3A_157 : vector<16xf32>
        %add3A_159 = arith.constant 0 : i32
        %add3A_160 = arith.addi %mul3A_99, %add3A_159 : i32
        %swap3A_161 = arith.index_cast %add3A_160 : i32 to index
        %swap3A_162 = arith.constant 32 : index
        %swap3A_163 = tpu.vector_load %arg9[%swap3A_161, %swap3A_162] {strides = array<i32>} : memref<200x128xf32, #tpu.memory_space<vmem>>, vector<1x16xf32>,
        %swap3A_164 = vector.shape_cast %swap3A_163 : vector<1x16xf32> to vector<16xf32>
        %swap3A_165 = vector.shape_cast %max3A_158 : vector<16xf32> to vector<1x16xf32>
        tpu.vector_store %arg9[%swap3A_161, %swap3A_162], %swap3A_165 {strides = array<i32>} : memref<200x128xf32, #tpu.memory_space<vmem>>, vector<1x16xf32>,
        %add3A_166 = arith.constant 0 : i32
        %add3A_167 = arith.addi %mul3A_99, %add3A_166 : i32
        %get3A_168 = arith.index_cast %add3A_167 : i32 to index
        %get3A_169 = arith.constant 48 : index
        %get3A_170 = tpu.vector_load %arg9[%get3A_168, %get3A_169] {strides = array<i32>} : memref<200x128xf32, #tpu.memory_space<vmem>>, vector<1x16xf32>,
        %get3A_171 = vector.shape_cast %get3A_170 : vector<1x16xf32> to vector<16xf32>
        %add3A_172 = arith.constant 0 : i32
        %add3A_173 = arith.addi %mul3A_99, %add3A_172 : i32
        %get3A_174 = arith.index_cast %add3A_173 : i32 to index
        %get3A_175 = arith.constant 48 : index
        %get3A_176 = tpu.vector_load %arg10[%get3A_174, %get3A_175] {strides = array<i32>} : memref<200x128xf32, #tpu.memory_space<vmem>>, vector<1x16xf32>,
        %get3A_177 = vector.shape_cast %get3A_176 : vector<1x16xf32> to vector<16xf32>
        %add3A_178 = arith.addf %get3A_171, %get3A_177 : vector<16xf32>
        %max3A_179 = arith.constant 0.000000e+00 : f32
        %max3A_180 = vector.broadcast %max3A_179 : f32 to vector<16xf32>
        %max3A_181 = arith.maximumf %add3A_178, %max3A_180 : vector<16xf32>
        %add3A_182 = arith.constant 0 : i32
        %add3A_183 = arith.addi %mul3A_99, %add3A_182 : i32
        %swap3A_184 = arith.index_cast %add3A_183 : i32 to index
        %swap3A_185 = arith.constant 48 : index
        %swap3A_186 = tpu.vector_load %arg9[%swap3A_184, %swap3A_185] {strides = array<i32>} : memref<200x128xf32, #tpu.memory_space<vmem>>, vector<1x16xf32>,
        %swap3A_187 = vector.shape_cast %swap3A_186 : vector<1x16xf32> to vector<16xf32>
        %swap3A_188 = vector.shape_cast %max3A_181 : vector<16xf32> to vector<1x16xf32>
        tpu.vector_store %arg9[%swap3A_184, %swap3A_185], %swap3A_188 {strides = array<i32>} : memref<200x128xf32, #tpu.memory_space<vmem>>, vector<1x16xf32>,
        %add3A_189 = arith.constant 0 : i32
        %add3A_190 = arith.addi %mul3A_99, %add3A_189 : i32
        %get3A_191 = arith.index_cast %add3A_190 : i32 to index
        %get3A_192 = arith.constant 64 : index
        %get3A_193 = tpu.vector_load %arg9[%get3A_191, %get3A_192] {strides = array<i32>} : memref<200x128xf32, #tpu.memory_space<vmem>>, vector<1x16xf32>,
        %get3A_194 = vector.shape_cast %get3A_193 : vector<1x16xf32> to vector<16xf32>
        %add3A_195 = arith.constant 0 : i32
        %add3A_196 = arith.addi %mul3A_99, %add3A_195 : i32
        %get3A_197 = arith.index_cast %add3A_196 : i32 to index
        %get3A_198 = arith.constant 64 : index
        %get3A_199 = tpu.vector_load %arg10[%get3A_197, %get3A_198] {strides = array<i32>} : memref<200x128xf32, #tpu.memory_space<vmem>>, vector<1x16xf32>,
        %get3A_200 = vector.shape_cast %get3A_199 : vector<1x16xf32> to vector<16xf32>
        %add3A_201 = arith.addf %get3A_194, %get3A_200 : vector<16xf32>
        %max3A_202 = arith.constant 0.000000e+00 : f32
        %max3A_203 = vector.broadcast %max3A_202 : f32 to vector<16xf32>
        %max3A_204 = arith.maximumf %add3A_201, %max3A_203 : vector<16xf32>
        %add3A_205 = arith.constant 0 : i32
        %add3A_206 = arith.addi %mul3A_99, %add3A_205 : i32
        %swap3A_207 = arith.index_cast %add3A_206 : i32 to index
        %swap3A_208 = arith.constant 64 : index
        %swap3A_209 = tpu.vector_load %arg9[%swap3A_207, %swap3A_208] {strides = array<i32>} : memref<200x128xf32, #tpu.memory_space<vmem>>, vector<1x16xf32>,
        %swap3A_210 = vector.shape_cast %swap3A_209 : vector<1x16xf32> to vector<16xf32>
        %swap3A_211 = vector.shape_cast %max3A_204 : vector<16xf32> to vector<1x16xf32>
        tpu.vector_store %arg9[%swap3A_207, %swap3A_208], %swap3A_211 {strides = array<i32>} : memref<200x128xf32, #tpu.memory_space<vmem>>, vector<1x16xf32>,
        %add3A_212 = arith.constant 0 : i32
        %add3A_213 = arith.addi %mul3A_99, %add3A_212 : i32
        %get3A_214 = arith.index_cast %add3A_213 : i32 to index
        %get3A_215 = arith.constant 80 : index
        %get3A_216 = tpu.vector_load %arg9[%get3A_214, %get3A_215] {strides = array<i32>} : memref<200x128xf32, #tpu.memory_space<vmem>>, vector<1x16xf32>,
        %get3A_217 = vector.shape_cast %get3A_216 : vector<1x16xf32> to vector<16xf32>
        %add3A_218 = arith.constant 0 : i32
        %add3A_219 = arith.addi %mul3A_99, %add3A_218 : i32
        %get3A_220 = arith.index_cast %add3A_219 : i32 to index
        %get3A_221 = arith.constant 80 : index
        %get3A_222 = tpu.vector_load %arg10[%get3A_220, %get3A_221] {strides = array<i32>} : memref<200x128xf32, #tpu.memory_space<vmem>>, vector<1x16xf32>,
        %get3A_223 = vector.shape_cast %get3A_222 : vector<1x16xf32> to vector<16xf32>
        %add3A_224 = arith.addf %get3A_217, %get3A_223 : vector<16xf32>
        %max3A_225 = arith.constant 0.000000e+00 : f32
        %max3A_226 = vector.broadcast %max3A_225 : f32 to vector<16xf32>
        %max3A_227 = arith.maximumf %add3A_224, %max3A_226 : vector<16xf32>
        %add3A_228 = arith.constant 0 : i32
        %add3A_229 = arith.addi %mul3A_99, %add3A_228 : i32
        %swap3A_230 = arith.index_cast %add3A_229 : i32 to index
        %swap3A_231 = arith.constant 80 : index
        %swap3A_232 = tpu.vector_load %arg9[%swap3A_230, %swap3A_231] {strides = array<i32>} : memref<200x128xf32, #tpu.memory_space<vmem>>, vector<1x16xf32>,
        %swap3A_233 = vector.shape_cast %swap3A_232 : vector<1x16xf32> to vector<16xf32>
        %swap3A_234 = vector.shape_cast %max3A_227 : vector<16xf32> to vector<1x16xf32>
        tpu.vector_store %arg9[%swap3A_230, %swap3A_231], %swap3A_234 {strides = array<i32>} : memref<200x128xf32, #tpu.memory_space<vmem>>, vector<1x16xf32>,
        %add3A_235 = arith.constant 0 : i32
        %add3A_236 = arith.addi %mul3A_99, %add3A_235 : i32
        %get3A_237 = arith.index_cast %add3A_236 : i32 to index
        %get3A_238 = arith.constant 96 : index
        %get3A_239 = tpu.vector_load %arg9[%get3A_237, %get3A_238] {strides = array<i32>} : memref<200x128xf32, #tpu.memory_space<vmem>>, vector<1x16xf32>,
        %get3A_240 = vector.shape_cast %get3A_239 : vector<1x16xf32> to vector<16xf32>
        %add3A_241 = arith.constant 0 : i32
        %add3A_242 = arith.addi %mul3A_99, %add3A_241 : i32
        %get3A_243 = arith.index_cast %add3A_242 : i32 to index
        %get3A_244 = arith.constant 96 : index
        %get3A_245 = tpu.vector_load %arg10[%get3A_243, %get3A_244] {strides = array<i32>} : memref<200x128xf32, #tpu.memory_space<vmem>>, vector<1x16xf32>,
        %get3A_246 = vector.shape_cast %get3A_245 : vector<1x16xf32> to vector<16xf32>
        %add3A_247 = arith.addf %get3A_240, %get3A_246 : vector<16xf32>
        %max3A_248 = arith.constant 0.000000e+00 : f32
        %max3A_249 = vector.broadcast %max3A_248 : f32 to vector<16xf32>
        %max3A_250 = arith.maximumf %add3A_247, %max3A_249 : vector<16xf32>
        %add3A_251 = arith.constant 0 : i32
        %add3A_252 = arith.addi %mul3A_99, %add3A_251 : i32
        %swap3A_253 = arith.index_cast %add3A_252 : i32 to index
        %swap3A_254 = arith.constant 96 : index
        %swap3A_255 = tpu.vector_load %arg9[%swap3A_253, %swap3A_254] {strides = array<i32>} : memref<200x128xf32, #tpu.memory_space<vmem>>, vector<1x16xf32>,
        %swap3A_256 = vector.shape_cast %swap3A_255 : vector<1x16xf32> to vector<16xf32>
        %swap3A_257 = vector.shape_cast %max3A_250 : vector<16xf32> to vector<1x16xf32>
        tpu.vector_store %arg9[%swap3A_253, %swap3A_254], %swap3A_257 {strides = array<i32>} : memref<200x128xf32, #tpu.memory_space<vmem>>, vector<1x16xf32>,
        %add3A_258 = arith.constant 0 : i32
        %add3A_259 = arith.addi %mul3A_99, %add3A_258 : i32
        %get3A_260 = arith.index_cast %add3A_259 : i32 to index
        %get3A_261 = arith.constant 112 : index
        %get3A_262 = tpu.vector_load %arg9[%get3A_260, %get3A_261] {strides = array<i32>} : memref<200x128xf32, #tpu.memory_space<vmem>>, vector<1x16xf32>,
        %get3A_263 = vector.shape_cast %get3A_262 : vector<1x16xf32> to vector<16xf32>
        %add3A_264 = arith.constant 0 : i32
        %add3A_265 = arith.addi %mul3A_99, %add3A_264 : i32
        %get3A_266 = arith.index_cast %add3A_265 : i32 to index
        %get3A_267 = arith.constant 112 : index
        %get3A_268 = tpu.vector_load %arg10[%get3A_266, %get3A_267] {strides = array<i32>} : memref<200x128xf32, #tpu.memory_space<vmem>>, vector<1x16xf32>,
        %get3A_269 = vector.shape_cast %get3A_268 : vector<1x16xf32> to vector<16xf32>
        %add3A_270 = arith.addf %get3A_263, %get3A_269 : vector<16xf32>
        %max3A_271 = arith.constant 0.000000e+00 : f32
        %max3A_272 = vector.broadcast %max3A_271 : f32 to vector<16xf32>
        %max3A_273 = arith.maximumf %add3A_270, %max3A_272 : vector<16xf32>
        %add3A_274 = arith.constant 0 : i32
        %add3A_275 = arith.addi %mul3A_99, %add3A_274 : i32
        %swap3A_276 = arith.index_cast %add3A_275 : i32 to index
        %swap3A_277 = arith.constant 112 : index
        %swap3A_278 = tpu.vector_load %arg9[%swap3A_276, %swap3A_277] {strides = array<i32>} : memref<200x128xf32, #tpu.memory_space<vmem>>, vector<1x16xf32>,
        %swap3A_279 = vector.shape_cast %swap3A_278 : vector<1x16xf32> to vector<16xf32>
        %swap3A_280 = vector.shape_cast %max3A_273 : vector<16xf32> to vector<1x16xf32>
        tpu.vector_store %arg9[%swap3A_276, %swap3A_277], %swap3A_280 {strides = array<i32>} : memref<200x128xf32, #tpu.memory_space<vmem>>, vector<1x16xf32>,
        %add3A_281 = arith.constant 1 : i32
        %add3A_282 = arith.addi %mul3A_99, %add3A_281 : i32
        %get3A_283 = arith.index_cast %add3A_282 : i32 to index
        %get3A_284 = arith.constant 0 : index
        %get3A_285 = tpu.vector_load %arg9[%get3A_283, %get3A_284] {strides = array<i32>} : memref<200x128xf32, #tpu.memory_space<vmem>>, vector<1x16xf32>,
        %get3A_286 = vector.shape_cast %get3A_285 : vector<1x16xf32> to vector<16xf32>
        %add3A_287 = arith.constant 1 : i32
        %add3A_288 = arith.addi %mul3A_99, %add3A_287 : i32
        %get3A_289 = arith.index_cast %add3A_288 : i32 to index
        %get3A_290 = arith.constant 0 : index
        %get3A_291 = tpu.vector_load %arg10[%get3A_289, %get3A_290] {strides = array<i32>} : memref<200x128xf32, #tpu.memory_space<vmem>>, vector<1x16xf32>,
        %get3A_292 = vector.shape_cast %get3A_291 : vector<1x16xf32> to vector<16xf32>
        %add3A_293 = arith.addf %get3A_286, %get3A_292 : vector<16xf32>
        %max3A_294 = arith.constant 0.000000e+00 : f32
        %max3A_295 = vector.broadcast %max3A_294 : f32 to vector<16xf32>
        %max3A_296 = arith.maximumf %add3A_293, %max3A_295 : vector<16xf32>
        %add3A_297 = arith.constant 1 : i32
        %add3A_298 = arith.addi %mul3A_99, %add3A_297 : i32
        %swap3A_299 = arith.index_cast %add3A_298 : i32 to index
        %swap3A_300 = arith.constant 0 : index
        %swap3A_301 = tpu.vector_load %arg9[%swap3A_299, %swap3A_300] {strides = array<i32>} : memref<200x128xf32, #tpu.memory_space<vmem>>, vector<1x16xf32>,
        %swap3A_302 = vector.shape_cast %swap3A_301 : vector<1x16xf32> to vector<16xf32>
        %swap3A_303 = vector.shape_cast %max3A_296 : vector<16xf32> to vector<1x16xf32>
        tpu.vector_store %arg9[%swap3A_299, %swap3A_300], %swap3A_303 {strides = array<i32>} : memref<200x128xf32, #tpu.memory_space<vmem>>, vector<1x16xf32>,
        %add3A_304 = arith.constant 1 : i32
        %add3A_305 = arith.addi %mul3A_99, %add3A_304 : i32
        %get3A_306 = arith.index_cast %add3A_305 : i32 to index
        %get3A_307 = arith.constant 16 : index
        %get3A_308 = tpu.vector_load %arg9[%get3A_306, %get3A_307] {strides = array<i32>} : memref<200x128xf32, #tpu.memory_space<vmem>>, vector<1x16xf32>,
        %get3A_309 = vector.shape_cast %get3A_308 : vector<1x16xf32> to vector<16xf32>
        %add3A_310 = arith.constant 1 : i32
        %add3A_311 = arith.addi %mul3A_99, %add3A_310 : i32
        %get3A_312 = arith.index_cast %add3A_311 : i32 to index
        %get3A_313 = arith.constant 16 : index
        %get3A_314 = tpu.vector_load %arg10[%get3A_312, %get3A_313] {strides = array<i32>} : memref<200x128xf32, #tpu.memory_space<vmem>>, vector<1x16xf32>,
        %get3A_315 = vector.shape_cast %get3A_314 : vector<1x16xf32> to vector<16xf32>
        %add3A_316 = arith.addf %get3A_309, %get3A_315 : vector<16xf32>
        %max3A_317 = arith.constant 0.000000e+00 : f32
        %max3A_318 = vector.broadcast %max3A_317 : f32 to vector<16xf32>
        %max3A_319 = arith.maximumf %add3A_316, %max3A_318 : vector<16xf32>
        %add3A_320 = arith.constant 1 : i32
        %add3A_321 = arith.addi %mul3A_99, %add3A_320 : i32
        %swap3A_322 = arith.index_cast %add3A_321 : i32 to index
        %swap3A_323 = arith.constant 16 : index
        %swap3A_324 = tpu.vector_load %arg9[%swap3A_322, %swap3A_323] {strides = array<i32>} : memref<200x128xf32, #tpu.memory_space<vmem>>, vector<1x16xf32>,
        %swap3A_325 = vector.shape_cast %swap3A_324 : vector<1x16xf32> to vector<16xf32>
        %swap3A_326 = vector.shape_cast %max3A_319 : vector<16xf32> to vector<1x16xf32>
        tpu.vector_store %arg9[%swap3A_322, %swap3A_323], %swap3A_326 {strides = array<i32>} : memref<200x128xf32, #tpu.memory_space<vmem>>, vector<1x16xf32>,
        %add3A_327 = arith.constant 1 : i32
        %add3A_328 = arith.addi %mul3A_99, %add3A_327 : i32
        %get3A_329 = arith.index_cast %add3A_328 : i32 to index
        %get3A_330 = arith.constant 32 : index
        %get3A_331 = tpu.vector_load %arg9[%get3A_329, %get3A_330] {strides = array<i32>} : memref<200x128xf32, #tpu.memory_space<vmem>>, vector<1x16xf32>,
        %get3A_332 = vector.shape_cast %get3A_331 : vector<1x16xf32> to vector<16xf32>
        %add3A_333 = arith.constant 1 : i32
        %add3A_334 = arith.addi %mul3A_99, %add3A_333 : i32
        %get3A_335 = arith.index_cast %add3A_334 : i32 to index
        %get3A_336 = arith.constant 32 : index
        %get3A_337 = tpu.vector_load %arg10[%get3A_335, %get3A_336] {strides = array<i32>} : memref<200x128xf32, #tpu.memory_space<vmem>>, vector<1x16xf32>,
        %get3A_338 = vector.shape_cast %get3A_337 : vector<1x16xf32> to vector<16xf32>
        %add3A_339 = arith.addf %get3A_332, %get3A_338 : vector<16xf32>
        %max3A_340 = arith.constant 0.000000e+00 : f32
        %max3A_341 = vector.broadcast %max3A_340 : f32 to vector<16xf32>
        %max3A_342 = arith.maximumf %add3A_339, %max3A_341 : vector<16xf32>
        %add3A_343 = arith.constant 1 : i32
        %add3A_344 = arith.addi %mul3A_99, %add3A_343 : i32
        %swap3A_345 = arith.index_cast %add3A_344 : i32 to index
        %swap3A_346 = arith.constant 32 : index
        %swap3A_347 = tpu.vector_load %arg9[%swap3A_345, %swap3A_346] {strides = array<i32>} : memref<200x128xf32, #tpu.memory_space<vmem>>, vector<1x16xf32>,
        %swap3A_348 = vector.shape_cast %swap3A_347 : vector<1x16xf32> to vector<16xf32>
        %swap3A_349 = vector.shape_cast %max3A_342 : vector<16xf32> to vector<1x16xf32>
        tpu.vector_store %arg9[%swap3A_345, %swap3A_346], %swap3A_349 {strides = array<i32>} : memref<200x128xf32, #tpu.memory_space<vmem>>, vector<1x16xf32>,
        %add3A_350 = arith.constant 1 : i32
        %add3A_351 = arith.addi %mul3A_99, %add3A_350 : i32
        %get3A_352 = arith.index_cast %add3A_351 : i32 to index
        %get3A_353 = arith.constant 48 : index
        %get3A_354 = tpu.vector_load %arg9[%get3A_352, %get3A_353] {strides = array<i32>} : memref<200x128xf32, #tpu.memory_space<vmem>>, vector<1x16xf32>,
        %get3A_355 = vector.shape_cast %get3A_354 : vector<1x16xf32> to vector<16xf32>
        %add3A_356 = arith.constant 1 : i32
        %add3A_357 = arith.addi %mul3A_99, %add3A_356 : i32
        %get3A_358 = arith.index_cast %add3A_357 : i32 to index
        %get3A_359 = arith.constant 48 : index
        %get3A_360 = tpu.vector_load %arg10[%get3A_358, %get3A_359] {strides = array<i32>} : memref<200x128xf32, #tpu.memory_space<vmem>>, vector<1x16xf32>,
        %get3A_361 = vector.shape_cast %get3A_360 : vector<1x16xf32> to vector<16xf32>
        %add3A_362 = arith.addf %get3A_355, %get3A_361 : vector<16xf32>
        %max3A_363 = arith.constant 0.000000e+00 : f32
        %max3A_364 = vector.broadcast %max3A_363 : f32 to vector<16xf32>
        %max3A_365 = arith.maximumf %add3A_362, %max3A_364 : vector<16xf32>
        %add3A_366 = arith.constant 1 : i32
        %add3A_367 = arith.addi %mul3A_99, %add3A_366 : i32
        %swap3A_368 = arith.index_cast %add3A_367 : i32 to index
        %swap3A_369 = arith.constant 48 : index
        %swap3A_370 = tpu.vector_load %arg9[%swap3A_368, %swap3A_369] {strides = array<i32>} : memref<200x128xf32, #tpu.memory_space<vmem>>, vector<1x16xf32>,
        %swap3A_371 = vector.shape_cast %swap3A_370 : vector<1x16xf32> to vector<16xf32>
        %swap3A_372 = vector.shape_cast %max3A_365 : vector<16xf32> to vector<1x16xf32>
        tpu.vector_store %arg9[%swap3A_368, %swap3A_369], %swap3A_372 {strides = array<i32>} : memref<200x128xf32, #tpu.memory_space<vmem>>, vector<1x16xf32>,
        %add3A_373 = arith.constant 1 : i32
        %add3A_374 = arith.addi %mul3A_99, %add3A_373 : i32
        %get3A_375 = arith.index_cast %add3A_374 : i32 to index
        %get3A_376 = arith.constant 64 : index
        %get3A_377 = tpu.vector_load %arg9[%get3A_375, %get3A_376] {strides = array<i32>} : memref<200x128xf32, #tpu.memory_space<vmem>>, vector<1x16xf32>,
        %get3A_378 = vector.shape_cast %get3A_377 : vector<1x16xf32> to vector<16xf32>
        %add3A_379 = arith.constant 1 : i32
        %add3A_380 = arith.addi %mul3A_99, %add3A_379 : i32
        %get3A_381 = arith.index_cast %add3A_380 : i32 to index
        %get3A_382 = arith.constant 64 : index
        %get3A_383 = tpu.vector_load %arg10[%get3A_381, %get3A_382] {strides = array<i32>} : memref<200x128xf32, #tpu.memory_space<vmem>>, vector<1x16xf32>,
        %get3A_384 = vector.shape_cast %get3A_383 : vector<1x16xf32> to vector<16xf32>
        %add3A_385 = arith.addf %get3A_378, %get3A_384 : vector<16xf32>
        %max3A_386 = arith.constant 0.000000e+00 : f32
        %max3A_387 = vector.broadcast %max3A_386 : f32 to vector<16xf32>
        %max3A_388 = arith.maximumf %add3A_385, %max3A_387 : vector<16xf32>
        %add3A_389 = arith.constant 1 : i32
        %add3A_390 = arith.addi %mul3A_99, %add3A_389 : i32
        %swap3A_391 = arith.index_cast %add3A_390 : i32 to index
        %swap3A_392 = arith.constant 64 : index
        %swap3A_393 = tpu.vector_load %arg9[%swap3A_391, %swap3A_392] {strides = array<i32>} : memref<200x128xf32, #tpu.memory_space<vmem>>, vector<1x16xf32>,
        %swap3A_394 = vector.shape_cast %swap3A_393 : vector<1x16xf32> to vector<16xf32>
        %swap3A_395 = vector.shape_cast %max3A_388 : vector<16xf32> to vector<1x16xf32>
        tpu.vector_store %arg9[%swap3A_391, %swap3A_392], %swap3A_395 {strides = array<i32>} : memref<200x128xf32, #tpu.memory_space<vmem>>, vector<1x16xf32>,
        %add3A_396 = arith.constant 1 : i32
        %add3A_397 = arith.addi %mul3A_99, %add3A_396 : i32
        %get3A_398 = arith.index_cast %add3A_397 : i32 to index
        %get3A_399 = arith.constant 80 : index
        %get3A_400 = tpu.vector_load %arg9[%get3A_398, %get3A_399] {strides = array<i32>} : memref<200x128xf32, #tpu.memory_space<vmem>>, vector<1x16xf32>,
        %get3A_401 = vector.shape_cast %get3A_400 : vector<1x16xf32> to vector<16xf32>
        %add3A_402 = arith.constant 1 : i32
        %add3A_403 = arith.addi %mul3A_99, %add3A_402 : i32
        %get3A_404 = arith.index_cast %add3A_403 : i32 to index
        %get3A_405 = arith.constant 80 : index
        %get3A_406 = tpu.vector_load %arg10[%get3A_404, %get3A_405] {strides = array<i32>} : memref<200x128xf32, #tpu.memory_space<vmem>>, vector<1x16xf32>,
        %get3A_407 = vector.shape_cast %get3A_406 : vector<1x16xf32> to vector<16xf32>
        %add3A_408 = arith.addf %get3A_401, %get3A_407 : vector<16xf32>
        %max3A_409 = arith.constant 0.000000e+00 : f32
        %max3A_410 = vector.broadcast %max3A_409 : f32 to vector<16xf32>
        %max3A_411 = arith.maximumf %add3A_408, %max3A_410 : vector<16xf32>
        %add3A_412 = arith.constant 1 : i32
        %add3A_413 = arith.addi %mul3A_99, %add3A_412 : i32
        %swap3A_414 = arith.index_cast %add3A_413 : i32 to index
        %swap3A_415 = arith.constant 80 : index
        %swap3A_416 = tpu.vector_load %arg9[%swap3A_414, %swap3A_415] {strides = array<i32>} : memref<200x128xf32, #tpu.memory_space<vmem>>, vector<1x16xf32>,
        %swap3A_417 = vector.shape_cast %swap3A_416 : vector<1x16xf32> to vector<16xf32>
        %swap3A_418 = vector.shape_cast %max3A_411 : vector<16xf32> to vector<1x16xf32>
        tpu.vector_store %arg9[%swap3A_414, %swap3A_415], %swap3A_418 {strides = array<i32>} : memref<200x128xf32, #tpu.memory_space<vmem>>, vector<1x16xf32>,
        %add3A_419 = arith.constant 1 : i32
        %add3A_420 = arith.addi %mul3A_99, %add3A_419 : i32
        %get3A_421 = arith.index_cast %add3A_420 : i32 to index
        %get3A_422 = arith.constant 96 : index
        %get3A_423 = tpu.vector_load %arg9[%get3A_421, %get3A_422] {strides = array<i32>} : memref<200x128xf32, #tpu.memory_space<vmem>>, vector<1x16xf32>,
        %get3A_424 = vector.shape_cast %get3A_423 : vector<1x16xf32> to vector<16xf32>
        %add3A_425 = arith.constant 1 : i32
        %add3A_426 = arith.addi %mul3A_99, %add3A_425 : i32
        %get3A_427 = arith.index_cast %add3A_426 : i32 to index
        %get3A_428 = arith.constant 96 : index
        %get3A_429 = tpu.vector_load %arg10[%get3A_427, %get3A_428] {strides = array<i32>} : memref<200x128xf32, #tpu.memory_space<vmem>>, vector<1x16xf32>,
        %get3A_430 = vector.shape_cast %get3A_429 : vector<1x16xf32> to vector<16xf32>
        %add3A_431 = arith.addf %get3A_424, %get3A_430 : vector<16xf32>
        %max3A_432 = arith.constant 0.000000e+00 : f32
        %max3A_433 = vector.broadcast %max3A_432 : f32 to vector<16xf32>
        %max3A_434 = arith.maximumf %add3A_431, %max3A_433 : vector<16xf32>
        %add3A_435 = arith.constant 1 : i32
        %add3A_436 = arith.addi %mul3A_99, %add3A_435 : i32
        %swap3A_437 = arith.index_cast %add3A_436 : i32 to index
        %swap3A_438 = arith.constant 96 : index
        %swap3A_439 = tpu.vector_load %arg9[%swap3A_437, %swap3A_438] {strides = array<i32>} : memref<200x128xf32, #tpu.memory_space<vmem>>, vector<1x16xf32>,
        %swap3A_440 = vector.shape_cast %swap3A_439 : vector<1x16xf32> to vector<16xf32>
        %swap3A_441 = vector.shape_cast %max3A_434 : vector<16xf32> to vector<1x16xf32>
        tpu.vector_store %arg9[%swap3A_437, %swap3A_438], %swap3A_441 {strides = array<i32>} : memref<200x128xf32, #tpu.memory_space<vmem>>, vector<1x16xf32>,
        %add3A_442 = arith.constant 1 : i32
        %add3A_443 = arith.addi %mul3A_99, %add3A_442 : i32
        %get3A_444 = arith.index_cast %add3A_443 : i32 to index
        %get3A_445 = arith.constant 112 : index
        %get3A_446 = tpu.vector_load %arg9[%get3A_444, %get3A_445] {strides = array<i32>} : memref<200x128xf32, #tpu.memory_space<vmem>>, vector<1x16xf32>,
        %get3A_447 = vector.shape_cast %get3A_446 : vector<1x16xf32> to vector<16xf32>
        %add3A_448 = arith.constant 1 : i32
        %add3A_449 = arith.addi %mul3A_99, %add3A_448 : i32
        %get3A_450 = arith.index_cast %add3A_449 : i32 to index
        %get3A_451 = arith.constant 112 : index
        %get3A_452 = tpu.vector_load %arg10[%get3A_450, %get3A_451] {strides = array<i32>} : memref<200x128xf32, #tpu.memory_space<vmem>>, vector<1x16xf32>,
        %get3A_453 = vector.shape_cast %get3A_452 : vector<1x16xf32> to vector<16xf32>
        %add3A_454 = arith.addf %get3A_447, %get3A_453 : vector<16xf32>
        %max3A_455 = arith.constant 0.000000e+00 : f32
        %max3A_456 = vector.broadcast %max3A_455 : f32 to vector<16xf32>
        %max3A_457 = arith.maximumf %add3A_454, %max3A_456 : vector<16xf32>
        %add3A_458 = arith.constant 1 : i32
        %add3A_459 = arith.addi %mul3A_99, %add3A_458 : i32
        %swap3A_460 = arith.index_cast %add3A_459 : i32 to index
        %swap3A_461 = arith.constant 112 : index
        %swap3A_462 = tpu.vector_load %arg9[%swap3A_460, %swap3A_461] {strides = array<i32>} : memref<200x128xf32, #tpu.memory_space<vmem>>, vector<1x16xf32>,
        %swap3A_463 = vector.shape_cast %swap3A_462 : vector<1x16xf32> to vector<16xf32>
        %swap3A_464 = vector.shape_cast %max3A_457 : vector<16xf32> to vector<1x16xf32>
        tpu.vector_store %arg9[%swap3A_460, %swap3A_461], %swap3A_464 {strides = array<i32>} : memref<200x128xf32, #tpu.memory_space<vmem>>, vector<1x16xf32>,
        %add3A_465 = arith.constant 2 : i32
        %add3A_466 = arith.addi %mul3A_99, %add3A_465 : i32
        %get3A_467 = arith.index_cast %add3A_466 : i32 to index
        %get3A_468 = arith.constant 0 : index
        %get3A_469 = tpu.vector_load %arg9[%get3A_467, %get3A_468] {strides = array<i32>} : memref<200x128xf32, #tpu.memory_space<vmem>>, vector<1x16xf32>,
        %get3A_470 = vector.shape_cast %get3A_469 : vector<1x16xf32> to vector<16xf32>
        %add3A_471 = arith.constant 2 : i32
        %add3A_472 = arith.addi %mul3A_99, %add3A_471 : i32
        %get3A_473 = arith.index_cast %add3A_472 : i32 to index
        %get3A_474 = arith.constant 0 : index
        %get3A_475 = tpu.vector_load %arg10[%get3A_473, %get3A_474] {strides = array<i32>} : memref<200x128xf32, #tpu.memory_space<vmem>>, vector<1x16xf32>,
        %get3A_476 = vector.shape_cast %get3A_475 : vector<1x16xf32> to vector<16xf32>
        %add3A_477 = arith.addf %get3A_470, %get3A_476 : vector<16xf32>
        %max3A_478 = arith.constant 0.000000e+00 : f32
        %max3A_479 = vector.broadcast %max3A_478 : f32 to vector<16xf32>
        %max3A_480 = arith.maximumf %add3A_477, %max3A_479 : vector<16xf32>
        %add3A_481 = arith.constant 2 : i32
        %add3A_482 = arith.addi %mul3A_99, %add3A_481 : i32
        %swap3A_483 = arith.index_cast %add3A_482 : i32 to index
        %swap3A_484 = arith.constant 0 : index
        %swap3A_485 = tpu.vector_load %arg9[%swap3A_483, %swap3A_484] {strides = array<i32>} : memref<200x128xf32, #tpu.memory_space<vmem>>, vector<1x16xf32>,
        %swap3A_486 = vector.shape_cast %swap3A_485 : vector<1x16xf32> to vector<16xf32>
        %swap3A_487 = vector.shape_cast %max3A_480 : vector<16xf32> to vector<1x16xf32>
        tpu.vector_store %arg9[%swap3A_483, %swap3A_484], %swap3A_487 {strides = array<i32>} : memref<200x128xf32, #tpu.memory_space<vmem>>, vector<1x16xf32>,
        %add3A_488 = arith.constant 2 : i32
        %add3A_489 = arith.addi %mul3A_99, %add3A_488 : i32
        %get3A_490 = arith.index_cast %add3A_489 : i32 to index
        %get3A_491 = arith.constant 16 : index
        %get3A_492 = tpu.vector_load %arg9[%get3A_490, %get3A_491] {strides = array<i32>} : memref<200x128xf32, #tpu.memory_space<vmem>>, vector<1x16xf32>,
        %get3A_493 = vector.shape_cast %get3A_492 : vector<1x16xf32> to vector<16xf32>
        %add3A_494 = arith.constant 2 : i32
        %add3A_495 = arith.addi %mul3A_99, %add3A_494 : i32
        %get3A_496 = arith.index_cast %add3A_495 : i32 to index
        %get3A_497 = arith.constant 16 : index
        %get3A_498 = tpu.vector_load %arg10[%get3A_496, %get3A_497] {strides = array<i32>} : memref<200x128xf32, #tpu.memory_space<vmem>>, vector<1x16xf32>,
        %get3A_499 = vector.shape_cast %get3A_498 : vector<1x16xf32> to vector<16xf32>
        %add3A_500 = arith.addf %get3A_493, %get3A_499 : vector<16xf32>
        %max3A_501 = arith.constant 0.000000e+00 : f32
        %max3A_502 = vector.broadcast %max3A_501 : f32 to vector<16xf32>
        %max3A_503 = arith.maximumf %add3A_500, %max3A_502 : vector<16xf32>
        %add3A_504 = arith.constant 2 : i32
        %add3A_505 = arith.addi %mul3A_99, %add3A_504 : i32
        %swap3A_506 = arith.index_cast %add3A_505 : i32 to index
        %swap3A_507 = arith.constant 16 : index
        %swap3A_508 = tpu.vector_load %arg9[%swap3A_506, %swap3A_507] {strides = array<i32>} : memref<200x128xf32, #tpu.memory_space<vmem>>, vector<1x16xf32>,
        %swap3A_509 = vector.shape_cast %swap3A_508 : vector<1x16xf32> to vector<16xf32>
        %swap3A_510 = vector.shape_cast %max3A_503 : vector<16xf32> to vector<1x16xf32>
        tpu.vector_store %arg9[%swap3A_506, %swap3A_507], %swap3A_510 {strides = array<i32>} : memref<200x128xf32, #tpu.memory_space<vmem>>, vector<1x16xf32>,
        %add3A_511 = arith.constant 2 : i32
        %add3A_512 = arith.addi %mul3A_99, %add3A_511 : i32
        %get3A_513 = arith.index_cast %add3A_512 : i32 to index
        %get3A_514 = arith.constant 32 : index
        %get3A_515 = tpu.vector_load %arg9[%get3A_513, %get3A_514] {strides = array<i32>} : memref<200x128xf32, #tpu.memory_space<vmem>>, vector<1x16xf32>,
        %get3A_516 = vector.shape_cast %get3A_515 : vector<1x16xf32> to vector<16xf32>
        %add3A_517 = arith.constant 2 : i32
        %add3A_518 = arith.addi %mul3A_99, %add3A_517 : i32
        %get3A_519 = arith.index_cast %add3A_518 : i32 to index
        %get3A_520 = arith.constant 32 : index
        %get3A_521 = tpu.vector_load %arg10[%get3A_519, %get3A_520] {strides = array<i32>} : memref<200x128xf32, #tpu.memory_space<vmem>>, vector<1x16xf32>,
        %get3A_522 = vector.shape_cast %get3A_521 : vector<1x16xf32> to vector<16xf32>
        %add3A_523 = arith.addf %get3A_516, %get3A_522 : vector<16xf32>
        %max3A_524 = arith.constant 0.000000e+00 : f32
        %max3A_525 = vector.broadcast %max3A_524 : f32 to vector<16xf32>
        %max3A_526 = arith.maximumf %add3A_523, %max3A_525 : vector<16xf32>
        %add3A_527 = arith.constant 2 : i32
        %add3A_528 = arith.addi %mul3A_99, %add3A_527 : i32
        %swap3A_529 = arith.index_cast %add3A_528 : i32 to index
        %swap3A_530 = arith.constant 32 : index
        %swap3A_531 = tpu.vector_load %arg9[%swap3A_529, %swap3A_530] {strides = array<i32>} : memref<200x128xf32, #tpu.memory_space<vmem>>, vector<1x16xf32>,
        %swap3A_532 = vector.shape_cast %swap3A_531 : vector<1x16xf32> to vector<16xf32>
        %swap3A_533 = vector.shape_cast %max3A_526 : vector<16xf32> to vector<1x16xf32>
        tpu.vector_store %arg9[%swap3A_529, %swap3A_530], %swap3A_533 {strides = array<i32>} : memref<200x128xf32, #tpu.memory_space<vmem>>, vector<1x16xf32>,
        %add3A_534 = arith.constant 2 : i32
        %add3A_535 = arith.addi %mul3A_99, %add3A_534 : i32
        %get3A_536 = arith.index_cast %add3A_535 : i32 to index
        %get3A_537 = arith.constant 48 : index
        %get3A_538 = tpu.vector_load %arg9[%get3A_536, %get3A_537] {strides = array<i32>} : memref<200x128xf32, #tpu.memory_space<vmem>>, vector<1x16xf32>,
        %get3A_539 = vector.shape_cast %get3A_538 : vector<1x16xf32> to vector<16xf32>
        %add3A_540 = arith.constant 2 : i32
        %add3A_541 = arith.addi %mul3A_99, %add3A_540 : i32
        %get3A_542 = arith.index_cast %add3A_541 : i32 to index
        %get3A_543 = arith.constant 48 : index
        %get3A_544 = tpu.vector_load %arg10[%get3A_542, %get3A_543] {strides = array<i32>} : memref<200x128xf32, #tpu.memory_space<vmem>>, vector<1x16xf32>,
        %get3A_545 = vector.shape_cast %get3A_544 : vector<1x16xf32> to vector<16xf32>
        %add3A_546 = arith.addf %get3A_539, %get3A_545 : vector<16xf32>
        %max3A_547 = arith.constant 0.000000e+00 : f32
        %max3A_548 = vector.broadcast %max3A_547 : f32 to vector<16xf32>
        %max3A_549 = arith.maximumf %add3A_546, %max3A_548 : vector<16xf32>
        %add3A_550 = arith.constant 2 : i32
        %add3A_551 = arith.addi %mul3A_99, %add3A_550 : i32
        %swap3A_552 = arith.index_cast %add3A_551 : i32 to index
        %swap3A_553 = arith.constant 48 : index
        %swap3A_554 = tpu.vector_load %arg9[%swap3A_552, %swap3A_553] {strides = array<i32>} : memref<200x128xf32, #tpu.memory_space<vmem>>, vector<1x16xf32>,
        %swap3A_555 = vector.shape_cast %swap3A_554 : vector<1x16xf32> to vector<16xf32>
        %swap3A_556 = vector.shape_cast %max3A_549 : vector<16xf32> to vector<1x16xf32>
        tpu.vector_store %arg9[%swap3A_552, %swap3A_553], %swap3A_556 {strides = array<i32>} : memref<200x128xf32, #tpu.memory_space<vmem>>, vector<1x16xf32>,
        %add3A_557 = arith.constant 2 : i32
        %add3A_558 = arith.addi %mul3A_99, %add3A_557 : i32
        %get3A_559 = arith.index_cast %add3A_558 : i32 to index
        %get3A_560 = arith.constant 64 : index
        %get3A_561 = tpu.vector_load %arg9[%get3A_559, %get3A_560] {strides = array<i32>} : memref<200x128xf32, #tpu.memory_space<vmem>>, vector<1x16xf32>,
        %get3A_562 = vector.shape_cast %get3A_561 : vector<1x16xf32> to vector<16xf32>
        %add3A_563 = arith.constant 2 : i32
        %add3A_564 = arith.addi %mul3A_99, %add3A_563 : i32
        %get3A_565 = arith.index_cast %add3A_564 : i32 to index
        %get3A_566 = arith.constant 64 : index
        %get3A_567 = tpu.vector_load %arg10[%get3A_565, %get3A_566] {strides = array<i32>} : memref<200x128xf32, #tpu.memory_space<vmem>>, vector<1x16xf32>,
        %get3A_568 = vector.shape_cast %get3A_567 : vector<1x16xf32> to vector<16xf32>
        %add3A_569 = arith.addf %get3A_562, %get3A_568 : vector<16xf32>
        %max3A_570 = arith.constant 0.000000e+00 : f32
        %max3A_571 = vector.broadcast %max3A_570 : f32 to vector<16xf32>
        %max3A_572 = arith.maximumf %add3A_569, %max3A_571 : vector<16xf32>
        %add3A_573 = arith.constant 2 : i32
        %add3A_574 = arith.addi %mul3A_99, %add3A_573 : i32
        %swap3A_575 = arith.index_cast %add3A_574 : i32 to index
        %swap3A_576 = arith.constant 64 : index
        %swap3A_577 = tpu.vector_load %arg9[%swap3A_575, %swap3A_576] {strides = array<i32>} : memref<200x128xf32, #tpu.memory_space<vmem>>, vector<1x16xf32>,
        %swap3A_578 = vector.shape_cast %swap3A_577 : vector<1x16xf32> to vector<16xf32>
        %swap3A_579 = vector.shape_cast %max3A_572 : vector<16xf32> to vector<1x16xf32>
        tpu.vector_store %arg9[%swap3A_575, %swap3A_576], %swap3A_579 {strides = array<i32>} : memref<200x128xf32, #tpu.memory_space<vmem>>, vector<1x16xf32>,
        %add3A_580 = arith.constant 2 : i32
        %add3A_581 = arith.addi %mul3A_99, %add3A_580 : i32
        %get3A_582 = arith.index_cast %add3A_581 : i32 to index
        %get3A_583 = arith.constant 80 : index
        %get3A_584 = tpu.vector_load %arg9[%get3A_582, %get3A_583] {strides = array<i32>} : memref<200x128xf32, #tpu.memory_space<vmem>>, vector<1x16xf32>,
        %get3A_585 = vector.shape_cast %get3A_584 : vector<1x16xf32> to vector<16xf32>
        %add3A_586 = arith.constant 2 : i32
        %add3A_587 = arith.addi %mul3A_99, %add3A_586 : i32
        %get3A_588 = arith.index_cast %add3A_587 : i32 to index
        %get3A_589 = arith.constant 80 : index
        %get3A_590 = tpu.vector_load %arg10[%get3A_588, %get3A_589] {strides = array<i32>} : memref<200x128xf32, #tpu.memory_space<vmem>>, vector<1x16xf32>,
        %get3A_591 = vector.shape_cast %get3A_590 : vector<1x16xf32> to vector<16xf32>
        %add3A_592 = arith.addf %get3A_585, %get3A_591 : vector<16xf32>
        %max3A_593 = arith.constant 0.000000e+00 : f32
        %max3A_594 = vector.broadcast %max3A_593 : f32 to vector<16xf32>
        %max3A_595 = arith.maximumf %add3A_592, %max3A_594 : vector<16xf32>
        %add3A_596 = arith.constant 2 : i32
        %add3A_597 = arith.addi %mul3A_99, %add3A_596 : i32
        %swap3A_598 = arith.index_cast %add3A_597 : i32 to index
        %swap3A_599 = arith.constant 80 : index
        %swap3A_600 = tpu.vector_load %arg9[%swap3A_598, %swap3A_599] {strides = array<i32>} : memref<200x128xf32, #tpu.memory_space<vmem>>, vector<1x16xf32>,
        %swap3A_601 = vector.shape_cast %swap3A_600 : vector<1x16xf32> to vector<16xf32>
        %swap3A_602 = vector.shape_cast %max3A_595 : vector<16xf32> to vector<1x16xf32>
        tpu.vector_store %arg9[%swap3A_598, %swap3A_599], %swap3A_602 {strides = array<i32>} : memref<200x128xf32, #tpu.memory_space<vmem>>, vector<1x16xf32>,
        %add3A_603 = arith.constant 2 : i32
        %add3A_604 = arith.addi %mul3A_99, %add3A_603 : i32
        %get3A_605 = arith.index_cast %add3A_604 : i32 to index
        %get3A_606 = arith.constant 96 : index
        %get3A_607 = tpu.vector_load %arg9[%get3A_605, %get3A_606] {strides = array<i32>} : memref<200x128xf32, #tpu.memory_space<vmem>>, vector<1x16xf32>,
        %get3A_608 = vector.shape_cast %get3A_607 : vector<1x16xf32> to vector<16xf32>
        %add3A_609 = arith.constant 2 : i32
        %add3A_610 = arith.addi %mul3A_99, %add3A_609 : i32
        %get3A_611 = arith.index_cast %add3A_610 : i32 to index
        %get3A_612 = arith.constant 96 : index
        %get3A_613 = tpu.vector_load %arg10[%get3A_611, %get3A_612] {strides = array<i32>} : memref<200x128xf32, #tpu.memory_space<vmem>>, vector<1x16xf32>,
        %get3A_614 = vector.shape_cast %get3A_613 : vector<1x16xf32> to vector<16xf32>
        %add3A_615 = arith.addf %get3A_608, %get3A_614 : vector<16xf32>
        %max3A_616 = arith.constant 0.000000e+00 : f32
        %max3A_617 = vector.broadcast %max3A_616 : f32 to vector<16xf32>
        %max3A_618 = arith.maximumf %add3A_615, %max3A_617 : vector<16xf32>
        %add3A_619 = arith.constant 2 : i32
        %add3A_620 = arith.addi %mul3A_99, %add3A_619 : i32
        %swap3A_621 = arith.index_cast %add3A_620 : i32 to index
        %swap3A_622 = arith.constant 96 : index
        %swap3A_623 = tpu.vector_load %arg9[%swap3A_621, %swap3A_622] {strides = array<i32>} : memref<200x128xf32, #tpu.memory_space<vmem>>, vector<1x16xf32>,
        %swap3A_624 = vector.shape_cast %swap3A_623 : vector<1x16xf32> to vector<16xf32>
        %swap3A_625 = vector.shape_cast %max3A_618 : vector<16xf32> to vector<1x16xf32>
        tpu.vector_store %arg9[%swap3A_621, %swap3A_622], %swap3A_625 {strides = array<i32>} : memref<200x128xf32, #tpu.memory_space<vmem>>, vector<1x16xf32>,
        %add3A_626 = arith.constant 2 : i32
        %add3A_627 = arith.addi %mul3A_99, %add3A_626 : i32
        %get3A_628 = arith.index_cast %add3A_627 : i32 to index
        %get3A_629 = arith.constant 112 : index
        %get3A_630 = tpu.vector_load %arg9[%get3A_628, %get3A_629] {strides = array<i32>} : memref<200x128xf32, #tpu.memory_space<vmem>>, vector<1x16xf32>,
        %get3A_631 = vector.shape_cast %get3A_630 : vector<1x16xf32> to vector<16xf32>
        %add3A_632 = arith.constant 2 : i32
        %add3A_633 = arith.addi %mul3A_99, %add3A_632 : i32
        %get3A_634 = arith.index_cast %add3A_633 : i32 to index
        %get3A_635 = arith.constant 112 : index
        %get3A_636 = tpu.vector_load %arg10[%get3A_634, %get3A_635] {strides = array<i32>} : memref<200x128xf32, #tpu.memory_space<vmem>>, vector<1x16xf32>,
        %get3A_637 = vector.shape_cast %get3A_636 : vector<1x16xf32> to vector<16xf32>
        %add3A_638 = arith.addf %get3A_631, %get3A_637 : vector<16xf32>
        %max3A_639 = arith.constant 0.000000e+00 : f32
        %max3A_640 = vector.broadcast %max3A_639 : f32 to vector<16xf32>
        %max3A_641 = arith.maximumf %add3A_638, %max3A_640 : vector<16xf32>
        %add3A_642 = arith.constant 2 : i32
        %add3A_643 = arith.addi %mul3A_99, %add3A_642 : i32
        %swap3A_644 = arith.index_cast %add3A_643 : i32 to index
        %swap3A_645 = arith.constant 112 : index
        %swap3A_646 = tpu.vector_load %arg9[%swap3A_644, %swap3A_645] {strides = array<i32>} : memref<200x128xf32, #tpu.memory_space<vmem>>, vector<1x16xf32>,
        %swap3A_647 = vector.shape_cast %swap3A_646 : vector<1x16xf32> to vector<16xf32>
        %swap3A_648 = vector.shape_cast %max3A_641 : vector<16xf32> to vector<1x16xf32>
        tpu.vector_store %arg9[%swap3A_644, %swap3A_645], %swap3A_648 {strides = array<i32>} : memref<200x128xf32, #tpu.memory_space<vmem>>, vector<1x16xf32>,
        %add3A_649 = arith.constant 3 : i32
        %add3A_650 = arith.addi %mul3A_99, %add3A_649 : i32
        %get3A_651 = arith.index_cast %add3A_650 : i32 to index
        %get3A_652 = arith.constant 0 : index
        %get3A_653 = tpu.vector_load %arg9[%get3A_651, %get3A_652] {strides = array<i32>} : memref<200x128xf32, #tpu.memory_space<vmem>>, vector<1x16xf32>,
        %get3A_654 = vector.shape_cast %get3A_653 : vector<1x16xf32> to vector<16xf32>
        %add3A_655 = arith.constant 3 : i32
        %add3A_656 = arith.addi %mul3A_99, %add3A_655 : i32
        %get3A_657 = arith.index_cast %add3A_656 : i32 to index
        %get3A_658 = arith.constant 0 : index
        %get3A_659 = tpu.vector_load %arg10[%get3A_657, %get3A_658] {strides = array<i32>} : memref<200x128xf32, #tpu.memory_space<vmem>>, vector<1x16xf32>,
        %get3A_660 = vector.shape_cast %get3A_659 : vector<1x16xf32> to vector<16xf32>
        %add3A_661 = arith.addf %get3A_654, %get3A_660 : vector<16xf32>
        %max3A_662 = arith.constant 0.000000e+00 : f32
        %max3A_663 = vector.broadcast %max3A_662 : f32 to vector<16xf32>
        %max3A_664 = arith.maximumf %add3A_661, %max3A_663 : vector<16xf32>
        %add3A_665 = arith.constant 3 : i32
        %add3A_666 = arith.addi %mul3A_99, %add3A_665 : i32
        %swap3A_667 = arith.index_cast %add3A_666 : i32 to index
        %swap3A_668 = arith.constant 0 : index
        %swap3A_669 = tpu.vector_load %arg9[%swap3A_667, %swap3A_668] {strides = array<i32>} : memref<200x128xf32, #tpu.memory_space<vmem>>, vector<1x16xf32>,
        %swap3A_670 = vector.shape_cast %swap3A_669 : vector<1x16xf32> to vector<16xf32>
        %swap3A_671 = vector.shape_cast %max3A_664 : vector<16xf32> to vector<1x16xf32>
        tpu.vector_store %arg9[%swap3A_667, %swap3A_668], %swap3A_671 {strides = array<i32>} : memref<200x128xf32, #tpu.memory_space<vmem>>, vector<1x16xf32>,
        %add3A_672 = arith.constant 3 : i32
        %add3A_673 = arith.addi %mul3A_99, %add3A_672 : i32
        %get3A_674 = arith.index_cast %add3A_673 : i32 to index
        %get3A_675 = arith.constant 16 : index
        %get3A_676 = tpu.vector_load %arg9[%get3A_674, %get3A_675] {strides = array<i32>} : memref<200x128xf32, #tpu.memory_space<vmem>>, vector<1x16xf32>,
        %get3A_677 = vector.shape_cast %get3A_676 : vector<1x16xf32> to vector<16xf32>
        %add3A_678 = arith.constant 3 : i32
        %add3A_679 = arith.addi %mul3A_99, %add3A_678 : i32
        %get3A_680 = arith.index_cast %add3A_679 : i32 to index
        %get3A_681 = arith.constant 16 : index
        %get3A_682 = tpu.vector_load %arg10[%get3A_680, %get3A_681] {strides = array<i32>} : memref<200x128xf32, #tpu.memory_space<vmem>>, vector<1x16xf32>,
        %get3A_683 = vector.shape_cast %get3A_682 : vector<1x16xf32> to vector<16xf32>
        %add3A_684 = arith.addf %get3A_677, %get3A_683 : vector<16xf32>
        %max3A_685 = arith.constant 0.000000e+00 : f32
        %max3A_686 = vector.broadcast %max3A_685 : f32 to vector<16xf32>
        %max3A_687 = arith.maximumf %add3A_684, %max3A_686 : vector<16xf32>
        %add3A_688 = arith.constant 3 : i32
        %add3A_689 = arith.addi %mul3A_99, %add3A_688 : i32
        %swap3A_690 = arith.index_cast %add3A_689 : i32 to index
        %swap3A_691 = arith.constant 16 : index
        %swap3A_692 = tpu.vector_load %arg9[%swap3A_690, %swap3A_691] {strides = array<i32>} : memref<200x128xf32, #tpu.memory_space<vmem>>, vector<1x16xf32>,
        %swap3A_693 = vector.shape_cast %swap3A_692 : vector<1x16xf32> to vector<16xf32>
        %swap3A_694 = vector.shape_cast %max3A_687 : vector<16xf32> to vector<1x16xf32>
        tpu.vector_store %arg9[%swap3A_690, %swap3A_691], %swap3A_694 {strides = array<i32>} : memref<200x128xf32, #tpu.memory_space<vmem>>, vector<1x16xf32>,
        %add3A_695 = arith.constant 3 : i32
        %add3A_696 = arith.addi %mul3A_99, %add3A_695 : i32
        %get3A_697 = arith.index_cast %add3A_696 : i32 to index
        %get3A_698 = arith.constant 32 : index
        %get3A_699 = tpu.vector_load %arg9[%get3A_697, %get3A_698] {strides = array<i32>} : memref<200x128xf32, #tpu.memory_space<vmem>>, vector<1x16xf32>,
        %get3A_700 = vector.shape_cast %get3A_699 : vector<1x16xf32> to vector<16xf32>
        %add3A_701 = arith.constant 3 : i32
        %add3A_702 = arith.addi %mul3A_99, %add3A_701 : i32
        %get3A_703 = arith.index_cast %add3A_702 : i32 to index
        %get3A_704 = arith.constant 32 : index
        %get3A_705 = tpu.vector_load %arg10[%get3A_703, %get3A_704] {strides = array<i32>} : memref<200x128xf32, #tpu.memory_space<vmem>>, vector<1x16xf32>,
        %get3A_706 = vector.shape_cast %get3A_705 : vector<1x16xf32> to vector<16xf32>
        %add3A_707 = arith.addf %get3A_700, %get3A_706 : vector<16xf32>
        %max3A_708 = arith.constant 0.000000e+00 : f32
        %max3A_709 = vector.broadcast %max3A_708 : f32 to vector<16xf32>
        %max3A_710 = arith.maximumf %add3A_707, %max3A_709 : vector<16xf32>
        %add3A_711 = arith.constant 3 : i32
        %add3A_712 = arith.addi %mul3A_99, %add3A_711 : i32
        %swap3A_713 = arith.index_cast %add3A_712 : i32 to index
        %swap3A_714 = arith.constant 32 : index
        %swap3A_715 = tpu.vector_load %arg9[%swap3A_713, %swap3A_714] {strides = array<i32>} : memref<200x128xf32, #tpu.memory_space<vmem>>, vector<1x16xf32>,
        %swap3A_716 = vector.shape_cast %swap3A_715 : vector<1x16xf32> to vector<16xf32>
        %swap3A_717 = vector.shape_cast %max3A_710 : vector<16xf32> to vector<1x16xf32>
        tpu.vector_store %arg9[%swap3A_713, %swap3A_714], %swap3A_717 {strides = array<i32>} : memref<200x128xf32, #tpu.memory_space<vmem>>, vector<1x16xf32>,
        %add3A_718 = arith.constant 3 : i32
        %add3A_719 = arith.addi %mul3A_99, %add3A_718 : i32
        %get3A_720 = arith.index_cast %add3A_719 : i32 to index
        %get3A_721 = arith.constant 48 : index
        %get3A_722 = tpu.vector_load %arg9[%get3A_720, %get3A_721] {strides = array<i32>} : memref<200x128xf32, #tpu.memory_space<vmem>>, vector<1x16xf32>,
        %get3A_723 = vector.shape_cast %get3A_722 : vector<1x16xf32> to vector<16xf32>
        %add3A_724 = arith.constant 3 : i32
        %add3A_725 = arith.addi %mul3A_99, %add3A_724 : i32
        %get3A_726 = arith.index_cast %add3A_725 : i32 to index
        %get3A_727 = arith.constant 48 : index
        %get3A_728 = tpu.vector_load %arg10[%get3A_726, %get3A_727] {strides = array<i32>} : memref<200x128xf32, #tpu.memory_space<vmem>>, vector<1x16xf32>,
        %get3A_729 = vector.shape_cast %get3A_728 : vector<1x16xf32> to vector<16xf32>
        %add3A_730 = arith.addf %get3A_723, %get3A_729 : vector<16xf32>
        %max3A_731 = arith.constant 0.000000e+00 : f32
        %max3A_732 = vector.broadcast %max3A_731 : f32 to vector<16xf32>
        %max3A_733 = arith.maximumf %add3A_730, %max3A_732 : vector<16xf32>
        %add3A_734 = arith.constant 3 : i32
        %add3A_735 = arith.addi %mul3A_99, %add3A_734 : i32
        %swap3A_736 = arith.index_cast %add3A_735 : i32 to index
        %swap3A_737 = arith.constant 48 : index
        %swap3A_738 = tpu.vector_load %arg9[%swap3A_736, %swap3A_737] {strides = array<i32>} : memref<200x128xf32, #tpu.memory_space<vmem>>, vector<1x16xf32>,
        %swap3A_739 = vector.shape_cast %swap3A_738 : vector<1x16xf32> to vector<16xf32>
        %swap3A_740 = vector.shape_cast %max3A_733 : vector<16xf32> to vector<1x16xf32>
        tpu.vector_store %arg9[%swap3A_736, %swap3A_737], %swap3A_740 {strides = array<i32>} : memref<200x128xf32, #tpu.memory_space<vmem>>, vector<1x16xf32>,
        %add3A_741 = arith.constant 3 : i32
        %add3A_742 = arith.addi %mul3A_99, %add3A_741 : i32
        %get3A_743 = arith.index_cast %add3A_742 : i32 to index
        %get3A_744 = arith.constant 64 : index
        %get3A_745 = tpu.vector_load %arg9[%get3A_743, %get3A_744] {strides = array<i32>} : memref<200x128xf32, #tpu.memory_space<vmem>>, vector<1x16xf32>,
        %get3A_746 = vector.shape_cast %get3A_745 : vector<1x16xf32> to vector<16xf32>
        %add3A_747 = arith.constant 3 : i32
        %add3A_748 = arith.addi %mul3A_99, %add3A_747 : i32
        %get3A_749 = arith.index_cast %add3A_748 : i32 to index
        %get3A_750 = arith.constant 64 : index
        %get3A_751 = tpu.vector_load %arg10[%get3A_749, %get3A_750] {strides = array<i32>} : memref<200x128xf32, #tpu.memory_space<vmem>>, vector<1x16xf32>,
        %get3A_752 = vector.shape_cast %get3A_751 : vector<1x16xf32> to vector<16xf32>
        %add3A_753 = arith.addf %get3A_746, %get3A_752 : vector<16xf32>
        %max3A_754 = arith.constant 0.000000e+00 : f32
        %max3A_755 = vector.broadcast %max3A_754 : f32 to vector<16xf32>
        %max3A_756 = arith.maximumf %add3A_753, %max3A_755 : vector<16xf32>
        %add3A_757 = arith.constant 3 : i32
        %add3A_758 = arith.addi %mul3A_99, %add3A_757 : i32
        %swap3A_759 = arith.index_cast %add3A_758 : i32 to index
        %swap3A_760 = arith.constant 64 : index
        %swap3A_761 = tpu.vector_load %arg9[%swap3A_759, %swap3A_760] {strides = array<i32>} : memref<200x128xf32, #tpu.memory_space<vmem>>, vector<1x16xf32>,
        %swap3A_762 = vector.shape_cast %swap3A_761 : vector<1x16xf32> to vector<16xf32>
        %swap3A_763 = vector.shape_cast %max3A_756 : vector<16xf32> to vector<1x16xf32>
        tpu.vector_store %arg9[%swap3A_759, %swap3A_760], %swap3A_763 {strides = array<i32>} : memref<200x128xf32, #tpu.memory_space<vmem>>, vector<1x16xf32>,
        %add3A_764 = arith.constant 3 : i32
        %add3A_765 = arith.addi %mul3A_99, %add3A_764 : i32
        %get3A_766 = arith.index_cast %add3A_765 : i32 to index
        %get3A_767 = arith.constant 80 : index
        %get3A_768 = tpu.vector_load %arg9[%get3A_766, %get3A_767] {strides = array<i32>} : memref<200x128xf32, #tpu.memory_space<vmem>>, vector<1x16xf32>,
        %get3A_769 = vector.shape_cast %get3A_768 : vector<1x16xf32> to vector<16xf32>
        %add3A_770 = arith.constant 3 : i32
        %add3A_771 = arith.addi %mul3A_99, %add3A_770 : i32
        %get3A_772 = arith.index_cast %add3A_771 : i32 to index
        %get3A_773 = arith.constant 80 : index
        %get3A_774 = tpu.vector_load %arg10[%get3A_772, %get3A_773] {strides = array<i32>} : memref<200x128xf32, #tpu.memory_space<vmem>>, vector<1x16xf32>,
        %get3A_775 = vector.shape_cast %get3A_774 : vector<1x16xf32> to vector<16xf32>
        %add3A_776 = arith.addf %get3A_769, %get3A_775 : vector<16xf32>
        %max3A_777 = arith.constant 0.000000e+00 : f32
        %max3A_778 = vector.broadcast %max3A_777 : f32 to vector<16xf32>
        %max3A_779 = arith.maximumf %add3A_776, %max3A_778 : vector<16xf32>
        %add3A_780 = arith.constant 3 : i32
        %add3A_781 = arith.addi %mul3A_99, %add3A_780 : i32
        %swap3A_782 = arith.index_cast %add3A_781 : i32 to index
        %swap3A_783 = arith.constant 80 : index
        %swap3A_784 = tpu.vector_load %arg9[%swap3A_782, %swap3A_783] {strides = array<i32>} : memref<200x128xf32, #tpu.memory_space<vmem>>, vector<1x16xf32>,
        %swap3A_785 = vector.shape_cast %swap3A_784 : vector<1x16xf32> to vector<16xf32>
        %swap3A_786 = vector.shape_cast %max3A_779 : vector<16xf32> to vector<1x16xf32>
        tpu.vector_store %arg9[%swap3A_782, %swap3A_783], %swap3A_786 {strides = array<i32>} : memref<200x128xf32, #tpu.memory_space<vmem>>, vector<1x16xf32>,
        %add3A_787 = arith.constant 3 : i32
        %add3A_788 = arith.addi %mul3A_99, %add3A_787 : i32
        %get3A_789 = arith.index_cast %add3A_788 : i32 to index
        %get3A_790 = arith.constant 96 : index
        %get3A_791 = tpu.vector_load %arg9[%get3A_789, %get3A_790] {strides = array<i32>} : memref<200x128xf32, #tpu.memory_space<vmem>>, vector<1x16xf32>,
        %get3A_792 = vector.shape_cast %get3A_791 : vector<1x16xf32> to vector<16xf32>
        %add3A_793 = arith.constant 3 : i32
        %add3A_794 = arith.addi %mul3A_99, %add3A_793 : i32
        %get3A_795 = arith.index_cast %add3A_794 : i32 to index
        %get3A_796 = arith.constant 96 : index
        %get3A_797 = tpu.vector_load %arg10[%get3A_795, %get3A_796] {strides = array<i32>} : memref<200x128xf32, #tpu.memory_space<vmem>>, vector<1x16xf32>,
        %get3A_798 = vector.shape_cast %get3A_797 : vector<1x16xf32> to vector<16xf32>
        %add3A_799 = arith.addf %get3A_792, %get3A_798 : vector<16xf32>
        %max3A_800 = arith.constant 0.000000e+00 : f32
        %max3A_801 = vector.broadcast %max3A_800 : f32 to vector<16xf32>
        %max3A_802 = arith.maximumf %add3A_799, %max3A_801 : vector<16xf32>
        %add3A_803 = arith.constant 3 : i32
        %add3A_804 = arith.addi %mul3A_99, %add3A_803 : i32
        %swap3A_805 = arith.index_cast %add3A_804 : i32 to index
        %swap3A_806 = arith.constant 96 : index
        %swap3A_807 = tpu.vector_load %arg9[%swap3A_805, %swap3A_806] {strides = array<i32>} : memref<200x128xf32, #tpu.memory_space<vmem>>, vector<1x16xf32>,
        %swap3A_808 = vector.shape_cast %swap3A_807 : vector<1x16xf32> to vector<16xf32>
        %swap3A_809 = vector.shape_cast %max3A_802 : vector<16xf32> to vector<1x16xf32>
        tpu.vector_store %arg9[%swap3A_805, %swap3A_806], %swap3A_809 {strides = array<i32>} : memref<200x128xf32, #tpu.memory_space<vmem>>, vector<1x16xf32>,
        %add3A_810 = arith.constant 3 : i32
        %add3A_811 = arith.addi %mul3A_99, %add3A_810 : i32
        %get3A_812 = arith.index_cast %add3A_811 : i32 to index
        %get3A_813 = arith.constant 112 : index
        %get3A_814 = tpu.vector_load %arg9[%get3A_812, %get3A_813] {strides = array<i32>} : memref<200x128xf32, #tpu.memory_space<vmem>>, vector<1x16xf32>,
        %get3A_815 = vector.shape_cast %get3A_814 : vector<1x16xf32> to vector<16xf32>
        %add3A_816 = arith.constant 3 : i32
        %add3A_817 = arith.addi %mul3A_99, %add3A_816 : i32
        %get3A_818 = arith.index_cast %add3A_817 : i32 to index
        %get3A_819 = arith.constant 112 : index
        %get3A_820 = tpu.vector_load %arg10[%get3A_818, %get3A_819] {strides = array<i32>} : memref<200x128xf32, #tpu.memory_space<vmem>>, vector<1x16xf32>,
        %get3A_821 = vector.shape_cast %get3A_820 : vector<1x16xf32> to vector<16xf32>
        %add3A_822 = arith.addf %get3A_815, %get3A_821 : vector<16xf32>
        %max3A_823 = arith.constant 0.000000e+00 : f32
        %max3A_824 = vector.broadcast %max3A_823 : f32 to vector<16xf32>
        %max3A_825 = arith.maximumf %add3A_822, %max3A_824 : vector<16xf32>
        %add3A_826 = arith.constant 3 : i32
        %add3A_827 = arith.addi %mul3A_99, %add3A_826 : i32
        %swap3A_828 = arith.index_cast %add3A_827 : i32 to index
        %swap3A_829 = arith.constant 112 : index
        %swap3A_830 = tpu.vector_load %arg9[%swap3A_828, %swap3A_829] {strides = array<i32>} : memref<200x128xf32, #tpu.memory_space<vmem>>, vector<1x16xf32>,
        %swap3A_831 = vector.shape_cast %swap3A_830 : vector<1x16xf32> to vector<16xf32>
        %swap3A_832 = vector.shape_cast %max3A_825 : vector<16xf32> to vector<1x16xf32>
        tpu.vector_store %arg9[%swap3A_828, %swap3A_829], %swap3A_832 {strides = array<i32>} : memref<200x128xf32, #tpu.memory_space<vmem>>, vector<1x16xf32>,
      }
      %scan3A_50 = arith.constant 50 : i32
      %mul3A_51 = arith.constant 200 : i32
      %mul3A_52 = arith.muli %add3A_26, %mul3A_51 : i32
      %add3A_53 = arith.addi %mul3A_2, %mul3A_52 : i32
      %dma_start3A_54 = arith.constant 0 : i32
      %dma_start3A_55 = tpu.memref_slice %arg6[%add3A_53, %dma_start3A_54] : memref<320000x128xf32, #tpu.memory_space<hbm>> -> memref<200x128xf32, #tpu.memory_space<hbm>>
      %dma_start3A_56 = arith.constant 0 : i32
      %dma_start3A_57 = tpu.memref_slice %arg6[%add3A_53, %dma_start3A_56] : memref<320000x128xf32, #tpu.memory_space<hbm>> -> memref<200x128xf32, #tpu.memory_space<hbm>>
      tpu.enqueue_dma source(%arg9 : memref<200x128xf32, #tpu.memory_space<vmem>>) target(%dma_start3A_57 : memref<200x128xf32, #tpu.memory_space<hbm>>) target_semaphore(%arg15 : memref<!tpu.dma_semaphore, #tpu.memory_space<semaphore_mem>>)
      %mul3A_58 = arith.constant 2 : i32
      %mul3A_59 = arith.muli %mul3A_58, %scan3A_22 : i32
      %add3A_60 = arith.constant 1 : i32
      %add3A_61 = arith.addi %mul3A_59, %add3A_60 : i32
      %ge3A_62 = arith.constant 1 : i32
      %ge3A_63 = arith.cmpi sge, %add3A_61, %ge3A_62 : i32
      %convert_element_type3A_64 = arith.extui %ge3A_63 : i1 to i32
      %cond3A_65 = arith.constant 0 : i32
      %cond3A_66 = arith.cmpi ne, %convert_element_type3A_64, %cond3A_65 : i32
      scf.if %cond3A_66 {
        %dma_wait3A_97 = arith.constant 0 : i32
        %dma_wait3A_98 = arith.constant 0 : i32
        %dma_wait3A_99 = tpu.memref_slice %arg6[%dma_wait3A_97, %dma_wait3A_98] : memref<320000x128xf32, #tpu.memory_space<hbm>> -> memref<200x128xf32, #tpu.memory_space<hbm>>
        %dma_wait3A_100 = arith.constant 0 : i32
        %dma_wait3A_101 = arith.constant 0 : i32
        %dma_wait3A_102 = tpu.memref_slice %arg6[%dma_wait3A_100, %dma_wait3A_101] : memref<320000x128xf32, #tpu.memory_space<hbm>> -> memref<200x128xf32, #tpu.memory_space<hbm>>
        tpu.wait_dma2 semaphore(%arg15 : memref<!tpu.dma_semaphore, #tpu.memory_space<semaphore_mem>>) src(%arg9 : memref<200x128xf32, #tpu.memory_space<vmem>>) dst(%dma_wait3A_102 : memref<200x128xf32, #tpu.memory_space<hbm>>)
      } else {
      }
      %lt3A_67 = arith.constant 49 : i32
      %lt3A_68 = arith.cmpi slt, %add3A_61, %lt3A_67 : i32
      %convert_element_type3A_69 = arith.extui %lt3A_68 : i1 to i32
      %cond3A_70 = arith.constant 0 : i32
      %cond3A_71 = arith.cmpi ne, %convert_element_type3A_69, %cond3A_70 : i32
      scf.if %cond3A_71 {
        %add3A_97 = arith.constant 1 : i32
        %add3A_98 = arith.addi %add3A_61, %add3A_97 : i32
        %mul3A_99 = arith.constant 200 : i32
        %mul3A_100 = arith.muli %add3A_98, %mul3A_99 : i32
        %dma_start3A_101 = tpu.memref_slice %arg7[%mul3A_100] : memref<10000xi32, #tpu.memory_space<vmem>> -> memref<200xi32, #tpu.memory_space<vmem>>
        %dma_start3A_102 = arith.constant 0 : i32
        %dma_start3A_103 = arith.constant 0 : i32
        %dma_start3A_104 = tpu.memref_slice %arg2[%dma_start3A_102, %dma_start3A_103] : memref<10000x128xf32, #tpu.memory_space<hbm>> -> memref<10000x128xf32, #tpu.memory_space<hbm>>
        tpu.enqueue_indirect_dma source(%dma_start3A_104 : memref<10000x128xf32, #tpu.memory_space<hbm>>) target(%arg9 : memref<200x128xf32, #tpu.memory_space<vmem>>) offsets(%dma_start3A_101 : memref<200xi32, #tpu.memory_space<vmem>>) semaphore(%arg13 : memref<!tpu.dma_semaphore, #tpu.memory_space<semaphore_mem>>)
        %dma_start3A_105 = tpu.memref_slice %arg8[%mul3A_100] : memref<10000xi32, #tpu.memory_space<vmem>> -> memref<200xi32, #tpu.memory_space<vmem>>
        %dma_start3A_106 = arith.constant 0 : i32
        %dma_start3A_107 = arith.constant 0 : i32
        %dma_start3A_108 = tpu.memref_slice %arg3[%dma_start3A_106, %dma_start3A_107] : memref<10000x128xf32, #tpu.memory_space<hbm>> -> memref<10000x128xf32, #tpu.memory_space<hbm>>
        tpu.enqueue_indirect_dma source(%dma_start3A_108 : memref<10000x128xf32, #tpu.memory_space<hbm>>) target(%arg10 : memref<200x128xf32, #tpu.memory_space<vmem>>) offsets(%dma_start3A_105 : memref<200xi32, #tpu.memory_space<vmem>>) semaphore(%arg13 : memref<!tpu.dma_semaphore, #tpu.memory_space<semaphore_mem>>)
      } else {
      }
      %dma_wait3A_72 = arith.constant 0 : i32
      %dma_wait3A_73 = arith.constant 0 : i32
      %dma_wait3A_74 = tpu.memref_slice %arg2[%dma_wait3A_72, %dma_wait3A_73] : memref<10000x128xf32, #tpu.memory_space<hbm>> -> memref<200x128xf32, #tpu.memory_space<hbm>>
      %dma_wait3A_75 = arith.constant 0 : i32
      %dma_wait3A_76 = arith.constant 0 : i32
      %dma_wait3A_77 = tpu.memref_slice %arg2[%dma_wait3A_75, %dma_wait3A_76] : memref<10000x128xf32, #tpu.memory_space<hbm>> -> memref<200x128xf32, #tpu.memory_space<hbm>>
      tpu.wait_dma2 semaphore(%arg14 : memref<!tpu.dma_semaphore, #tpu.memory_space<semaphore_mem>>) src(%dma_wait3A_77 : memref<200x128xf32, #tpu.memory_space<hbm>>) dst(%arg11 : memref<200x128xf32, #tpu.memory_space<vmem>>)
      %dma_wait3A_78 = arith.constant 0 : i32
      %dma_wait3A_79 = arith.constant 0 : i32
      %dma_wait3A_80 = tpu.memref_slice %arg3[%dma_wait3A_78, %dma_wait3A_79] : memref<10000x128xf32, #tpu.memory_space<hbm>> -> memref<200x128xf32, #tpu.memory_space<hbm>>
      %dma_wait3A_81 = arith.constant 0 : i32
      %dma_wait3A_82 = arith.constant 0 : i32
      %dma_wait3A_83 = tpu.memref_slice %arg3[%dma_wait3A_81, %dma_wait3A_82] : memref<10000x128xf32, #tpu.memory_space<hbm>> -> memref<200x128xf32, #tpu.memory_space<hbm>>
      tpu.wait_dma2 semaphore(%arg14 : memref<!tpu.dma_semaphore, #tpu.memory_space<semaphore_mem>>) src(%dma_wait3A_83 : memref<200x128xf32, #tpu.memory_space<hbm>>) dst(%arg12 : memref<200x128xf32, #tpu.memory_space<vmem>>)
      %scan3A_84 = arith.constant 0 : i32
      %scan3A_85 = arith.constant 0 : i32
      %scan3A_86 = arith.constant 50 : i32
      %scan3A_87 = arith.addi %scan3A_85, %scan3A_86 : i32
      %scan3A_88 = arith.constant 1 : i32
      scf.for %scan3A_97 = %scan3A_85 to %scan3A_87 step %scan3A_88  : i32 {
        %mul3A_98 = arith.constant 4 : i32
        %mul3A_99 = arith.muli %scan3A_97, %mul3A_98 : i32
        %add3A_100 = arith.constant 0 : i32
        %add3A_101 = arith.addi %mul3A_99, %add3A_100 : i32
        %get3A = arith.index_cast %add3A_101 : i32 to index
        %get3A_102 = arith.constant 0 : index
        %get3A_103 = tpu.vector_load %arg11[%get3A, %get3A_102] {strides = array<i32>} : memref<200x128xf32, #tpu.memory_space<vmem>>, vector<1x16xf32>,
        %get3A_104 = vector.shape_cast %get3A_103 : vector<1x16xf32> to vector<16xf32>
        %add3A_105 = arith.constant 0 : i32
        %add3A_106 = arith.addi %mul3A_99, %add3A_105 : i32
        %get3A_107 = arith.index_cast %add3A_106 : i32 to index
        %get3A_108 = arith.constant 0 : index
        %get3A_109 = tpu.vector_load %arg12[%get3A_107, %get3A_108] {strides = array<i32>} : memref<200x128xf32, #tpu.memory_space<vmem>>, vector<1x16xf32>,
        %get3A_110 = vector.shape_cast %get3A_109 : vector<1x16xf32> to vector<16xf32>
        %add3A_111 = arith.addf %get3A_104, %get3A_110 : vector<16xf32>
        %max3A = arith.constant 0.000000e+00 : f32
        %max3A_112 = vector.broadcast %max3A : f32 to vector<16xf32>
        %max3A_113 = arith.maximumf %add3A_111, %max3A_112 : vector<16xf32>
        %add3A_114 = arith.constant 0 : i32
        %add3A_115 = arith.addi %mul3A_99, %add3A_114 : i32
        %swap3A = arith.index_cast %add3A_115 : i32 to index
        %swap3A_116 = arith.constant 0 : index
        %swap3A_117 = tpu.vector_load %arg11[%swap3A, %swap3A_116] {strides = array<i32>} : memref<200x128xf32, #tpu.memory_space<vmem>>, vector<1x16xf32>,
        %swap3A_118 = vector.shape_cast %swap3A_117 : vector<1x16xf32> to vector<16xf32>
        %swap3A_119 = vector.shape_cast %max3A_113 : vector<16xf32> to vector<1x16xf32>
        tpu.vector_store %arg11[%swap3A, %swap3A_116], %swap3A_119 {strides = array<i32>} : memref<200x128xf32, #tpu.memory_space<vmem>>, vector<1x16xf32>,
        %add3A_120 = arith.constant 0 : i32
        %add3A_121 = arith.addi %mul3A_99, %add3A_120 : i32
        %get3A_122 = arith.index_cast %add3A_121 : i32 to index
        %get3A_123 = arith.constant 16 : index
        %get3A_124 = tpu.vector_load %arg11[%get3A_122, %get3A_123] {strides = array<i32>} : memref<200x128xf32, #tpu.memory_space<vmem>>, vector<1x16xf32>,
        %get3A_125 = vector.shape_cast %get3A_124 : vector<1x16xf32> to vector<16xf32>
        %add3A_126 = arith.constant 0 : i32
        %add3A_127 = arith.addi %mul3A_99, %add3A_126 : i32
        %get3A_128 = arith.index_cast %add3A_127 : i32 to index
        %get3A_129 = arith.constant 16 : index
        %get3A_130 = tpu.vector_load %arg12[%get3A_128, %get3A_129] {strides = array<i32>} : memref<200x128xf32, #tpu.memory_space<vmem>>, vector<1x16xf32>,
        %get3A_131 = vector.shape_cast %get3A_130 : vector<1x16xf32> to vector<16xf32>
        %add3A_132 = arith.addf %get3A_125, %get3A_131 : vector<16xf32>
        %max3A_133 = arith.constant 0.000000e+00 : f32
        %max3A_134 = vector.broadcast %max3A_133 : f32 to vector<16xf32>
        %max3A_135 = arith.maximumf %add3A_132, %max3A_134 : vector<16xf32>
        %add3A_136 = arith.constant 0 : i32
        %add3A_137 = arith.addi %mul3A_99, %add3A_136 : i32
        %swap3A_138 = arith.index_cast %add3A_137 : i32 to index
        %swap3A_139 = arith.constant 16 : index
        %swap3A_140 = tpu.vector_load %arg11[%swap3A_138, %swap3A_139] {strides = array<i32>} : memref<200x128xf32, #tpu.memory_space<vmem>>, vector<1x16xf32>,
        %swap3A_141 = vector.shape_cast %swap3A_140 : vector<1x16xf32> to vector<16xf32>
        %swap3A_142 = vector.shape_cast %max3A_135 : vector<16xf32> to vector<1x16xf32>
        tpu.vector_store %arg11[%swap3A_138, %swap3A_139], %swap3A_142 {strides = array<i32>} : memref<200x128xf32, #tpu.memory_space<vmem>>, vector<1x16xf32>,
        %add3A_143 = arith.constant 0 : i32
        %add3A_144 = arith.addi %mul3A_99, %add3A_143 : i32
        %get3A_145 = arith.index_cast %add3A_144 : i32 to index
        %get3A_146 = arith.constant 32 : index
        %get3A_147 = tpu.vector_load %arg11[%get3A_145, %get3A_146] {strides = array<i32>} : memref<200x128xf32, #tpu.memory_space<vmem>>, vector<1x16xf32>,
        %get3A_148 = vector.shape_cast %get3A_147 : vector<1x16xf32> to vector<16xf32>
        %add3A_149 = arith.constant 0 : i32
        %add3A_150 = arith.addi %mul3A_99, %add3A_149 : i32
        %get3A_151 = arith.index_cast %add3A_150 : i32 to index
        %get3A_152 = arith.constant 32 : index
        %get3A_153 = tpu.vector_load %arg12[%get3A_151, %get3A_152] {strides = array<i32>} : memref<200x128xf32, #tpu.memory_space<vmem>>, vector<1x16xf32>,
        %get3A_154 = vector.shape_cast %get3A_153 : vector<1x16xf32> to vector<16xf32>
        %add3A_155 = arith.addf %get3A_148, %get3A_154 : vector<16xf32>
        %max3A_156 = arith.constant 0.000000e+00 : f32
        %max3A_157 = vector.broadcast %max3A_156 : f32 to vector<16xf32>
        %max3A_158 = arith.maximumf %add3A_155, %max3A_157 : vector<16xf32>
        %add3A_159 = arith.constant 0 : i32
        %add3A_160 = arith.addi %mul3A_99, %add3A_159 : i32
        %swap3A_161 = arith.index_cast %add3A_160 : i32 to index
        %swap3A_162 = arith.constant 32 : index
        %swap3A_163 = tpu.vector_load %arg11[%swap3A_161, %swap3A_162] {strides = array<i32>} : memref<200x128xf32, #tpu.memory_space<vmem>>, vector<1x16xf32>,
        %swap3A_164 = vector.shape_cast %swap3A_163 : vector<1x16xf32> to vector<16xf32>
        %swap3A_165 = vector.shape_cast %max3A_158 : vector<16xf32> to vector<1x16xf32>
        tpu.vector_store %arg11[%swap3A_161, %swap3A_162], %swap3A_165 {strides = array<i32>} : memref<200x128xf32, #tpu.memory_space<vmem>>, vector<1x16xf32>,
        %add3A_166 = arith.constant 0 : i32
        %add3A_167 = arith.addi %mul3A_99, %add3A_166 : i32
        %get3A_168 = arith.index_cast %add3A_167 : i32 to index
        %get3A_169 = arith.constant 48 : index
        %get3A_170 = tpu.vector_load %arg11[%get3A_168, %get3A_169] {strides = array<i32>} : memref<200x128xf32, #tpu.memory_space<vmem>>, vector<1x16xf32>,
        %get3A_171 = vector.shape_cast %get3A_170 : vector<1x16xf32> to vector<16xf32>
        %add3A_172 = arith.constant 0 : i32
        %add3A_173 = arith.addi %mul3A_99, %add3A_172 : i32
        %get3A_174 = arith.index_cast %add3A_173 : i32 to index
        %get3A_175 = arith.constant 48 : index
        %get3A_176 = tpu.vector_load %arg12[%get3A_174, %get3A_175] {strides = array<i32>} : memref<200x128xf32, #tpu.memory_space<vmem>>, vector<1x16xf32>,
        %get3A_177 = vector.shape_cast %get3A_176 : vector<1x16xf32> to vector<16xf32>
        %add3A_178 = arith.addf %get3A_171, %get3A_177 : vector<16xf32>
        %max3A_179 = arith.constant 0.000000e+00 : f32
        %max3A_180 = vector.broadcast %max3A_179 : f32 to vector<16xf32>
        %max3A_181 = arith.maximumf %add3A_178, %max3A_180 : vector<16xf32>
        %add3A_182 = arith.constant 0 : i32
        %add3A_183 = arith.addi %mul3A_99, %add3A_182 : i32
        %swap3A_184 = arith.index_cast %add3A_183 : i32 to index
        %swap3A_185 = arith.constant 48 : index
        %swap3A_186 = tpu.vector_load %arg11[%swap3A_184, %swap3A_185] {strides = array<i32>} : memref<200x128xf32, #tpu.memory_space<vmem>>, vector<1x16xf32>,
        %swap3A_187 = vector.shape_cast %swap3A_186 : vector<1x16xf32> to vector<16xf32>
        %swap3A_188 = vector.shape_cast %max3A_181 : vector<16xf32> to vector<1x16xf32>
        tpu.vector_store %arg11[%swap3A_184, %swap3A_185], %swap3A_188 {strides = array<i32>} : memref<200x128xf32, #tpu.memory_space<vmem>>, vector<1x16xf32>,
        %add3A_189 = arith.constant 0 : i32
        %add3A_190 = arith.addi %mul3A_99, %add3A_189 : i32
        %get3A_191 = arith.index_cast %add3A_190 : i32 to index
        %get3A_192 = arith.constant 64 : index
        %get3A_193 = tpu.vector_load %arg11[%get3A_191, %get3A_192] {strides = array<i32>} : memref<200x128xf32, #tpu.memory_space<vmem>>, vector<1x16xf32>,
        %get3A_194 = vector.shape_cast %get3A_193 : vector<1x16xf32> to vector<16xf32>
        %add3A_195 = arith.constant 0 : i32
        %add3A_196 = arith.addi %mul3A_99, %add3A_195 : i32
        %get3A_197 = arith.index_cast %add3A_196 : i32 to index
        %get3A_198 = arith.constant 64 : index
        %get3A_199 = tpu.vector_load %arg12[%get3A_197, %get3A_198] {strides = array<i32>} : memref<200x128xf32, #tpu.memory_space<vmem>>, vector<1x16xf32>,
        %get3A_200 = vector.shape_cast %get3A_199 : vector<1x16xf32> to vector<16xf32>
        %add3A_201 = arith.addf %get3A_194, %get3A_200 : vector<16xf32>
        %max3A_202 = arith.constant 0.000000e+00 : f32
        %max3A_203 = vector.broadcast %max3A_202 : f32 to vector<16xf32>
        %max3A_204 = arith.maximumf %add3A_201, %max3A_203 : vector<16xf32>
        %add3A_205 = arith.constant 0 : i32
        %add3A_206 = arith.addi %mul3A_99, %add3A_205 : i32
        %swap3A_207 = arith.index_cast %add3A_206 : i32 to index
        %swap3A_208 = arith.constant 64 : index
        %swap3A_209 = tpu.vector_load %arg11[%swap3A_207, %swap3A_208] {strides = array<i32>} : memref<200x128xf32, #tpu.memory_space<vmem>>, vector<1x16xf32>,
        %swap3A_210 = vector.shape_cast %swap3A_209 : vector<1x16xf32> to vector<16xf32>
        %swap3A_211 = vector.shape_cast %max3A_204 : vector<16xf32> to vector<1x16xf32>
        tpu.vector_store %arg11[%swap3A_207, %swap3A_208], %swap3A_211 {strides = array<i32>} : memref<200x128xf32, #tpu.memory_space<vmem>>, vector<1x16xf32>,
        %add3A_212 = arith.constant 0 : i32
        %add3A_213 = arith.addi %mul3A_99, %add3A_212 : i32
        %get3A_214 = arith.index_cast %add3A_213 : i32 to index
        %get3A_215 = arith.constant 80 : index
        %get3A_216 = tpu.vector_load %arg11[%get3A_214, %get3A_215] {strides = array<i32>} : memref<200x128xf32, #tpu.memory_space<vmem>>, vector<1x16xf32>,
        %get3A_217 = vector.shape_cast %get3A_216 : vector<1x16xf32> to vector<16xf32>
        %add3A_218 = arith.constant 0 : i32
        %add3A_219 = arith.addi %mul3A_99, %add3A_218 : i32
        %get3A_220 = arith.index_cast %add3A_219 : i32 to index
        %get3A_221 = arith.constant 80 : index
        %get3A_222 = tpu.vector_load %arg12[%get3A_220, %get3A_221] {strides = array<i32>} : memref<200x128xf32, #tpu.memory_space<vmem>>, vector<1x16xf32>,
        %get3A_223 = vector.shape_cast %get3A_222 : vector<1x16xf32> to vector<16xf32>
        %add3A_224 = arith.addf %get3A_217, %get3A_223 : vector<16xf32>
        %max3A_225 = arith.constant 0.000000e+00 : f32
        %max3A_226 = vector.broadcast %max3A_225 : f32 to vector<16xf32>
        %max3A_227 = arith.maximumf %add3A_224, %max3A_226 : vector<16xf32>
        %add3A_228 = arith.constant 0 : i32
        %add3A_229 = arith.addi %mul3A_99, %add3A_228 : i32
        %swap3A_230 = arith.index_cast %add3A_229 : i32 to index
        %swap3A_231 = arith.constant 80 : index
        %swap3A_232 = tpu.vector_load %arg11[%swap3A_230, %swap3A_231] {strides = array<i32>} : memref<200x128xf32, #tpu.memory_space<vmem>>, vector<1x16xf32>,
        %swap3A_233 = vector.shape_cast %swap3A_232 : vector<1x16xf32> to vector<16xf32>
        %swap3A_234 = vector.shape_cast %max3A_227 : vector<16xf32> to vector<1x16xf32>
        tpu.vector_store %arg11[%swap3A_230, %swap3A_231], %swap3A_234 {strides = array<i32>} : memref<200x128xf32, #tpu.memory_space<vmem>>, vector<1x16xf32>,
        %add3A_235 = arith.constant 0 : i32
        %add3A_236 = arith.addi %mul3A_99, %add3A_235 : i32
        %get3A_237 = arith.index_cast %add3A_236 : i32 to index
        %get3A_238 = arith.constant 96 : index
        %get3A_239 = tpu.vector_load %arg11[%get3A_237, %get3A_238] {strides = array<i32>} : memref<200x128xf32, #tpu.memory_space<vmem>>, vector<1x16xf32>,
        %get3A_240 = vector.shape_cast %get3A_239 : vector<1x16xf32> to vector<16xf32>
        %add3A_241 = arith.constant 0 : i32
        %add3A_242 = arith.addi %mul3A_99, %add3A_241 : i32
        %get3A_243 = arith.index_cast %add3A_242 : i32 to index
        %get3A_244 = arith.constant 96 : index
        %get3A_245 = tpu.vector_load %arg12[%get3A_243, %get3A_244] {strides = array<i32>} : memref<200x128xf32, #tpu.memory_space<vmem>>, vector<1x16xf32>,
        %get3A_246 = vector.shape_cast %get3A_245 : vector<1x16xf32> to vector<16xf32>
        %add3A_247 = arith.addf %get3A_240, %get3A_246 : vector<16xf32>
        %max3A_248 = arith.constant 0.000000e+00 : f32
        %max3A_249 = vector.broadcast %max3A_248 : f32 to vector<16xf32>
        %max3A_250 = arith.maximumf %add3A_247, %max3A_249 : vector<16xf32>
        %add3A_251 = arith.constant 0 : i32
        %add3A_252 = arith.addi %mul3A_99, %add3A_251 : i32
        %swap3A_253 = arith.index_cast %add3A_252 : i32 to index
        %swap3A_254 = arith.constant 96 : index
        %swap3A_255 = tpu.vector_load %arg11[%swap3A_253, %swap3A_254] {strides = array<i32>} : memref<200x128xf32, #tpu.memory_space<vmem>>, vector<1x16xf32>,
        %swap3A_256 = vector.shape_cast %swap3A_255 : vector<1x16xf32> to vector<16xf32>
        %swap3A_257 = vector.shape_cast %max3A_250 : vector<16xf32> to vector<1x16xf32>
        tpu.vector_store %arg11[%swap3A_253, %swap3A_254], %swap3A_257 {strides = array<i32>} : memref<200x128xf32, #tpu.memory_space<vmem>>, vector<1x16xf32>,
        %add3A_258 = arith.constant 0 : i32
        %add3A_259 = arith.addi %mul3A_99, %add3A_258 : i32
        %get3A_260 = arith.index_cast %add3A_259 : i32 to index
        %get3A_261 = arith.constant 112 : index
        %get3A_262 = tpu.vector_load %arg11[%get3A_260, %get3A_261] {strides = array<i32>} : memref<200x128xf32, #tpu.memory_space<vmem>>, vector<1x16xf32>,
        %get3A_263 = vector.shape_cast %get3A_262 : vector<1x16xf32> to vector<16xf32>
        %add3A_264 = arith.constant 0 : i32
        %add3A_265 = arith.addi %mul3A_99, %add3A_264 : i32
        %get3A_266 = arith.index_cast %add3A_265 : i32 to index
        %get3A_267 = arith.constant 112 : index
        %get3A_268 = tpu.vector_load %arg12[%get3A_266, %get3A_267] {strides = array<i32>} : memref<200x128xf32, #tpu.memory_space<vmem>>, vector<1x16xf32>,
        %get3A_269 = vector.shape_cast %get3A_268 : vector<1x16xf32> to vector<16xf32>
        %add3A_270 = arith.addf %get3A_263, %get3A_269 : vector<16xf32>
        %max3A_271 = arith.constant 0.000000e+00 : f32
        %max3A_272 = vector.broadcast %max3A_271 : f32 to vector<16xf32>
        %max3A_273 = arith.maximumf %add3A_270, %max3A_272 : vector<16xf32>
        %add3A_274 = arith.constant 0 : i32
        %add3A_275 = arith.addi %mul3A_99, %add3A_274 : i32
        %swap3A_276 = arith.index_cast %add3A_275 : i32 to index
        %swap3A_277 = arith.constant 112 : index
        %swap3A_278 = tpu.vector_load %arg11[%swap3A_276, %swap3A_277] {strides = array<i32>} : memref<200x128xf32, #tpu.memory_space<vmem>>, vector<1x16xf32>,
        %swap3A_279 = vector.shape_cast %swap3A_278 : vector<1x16xf32> to vector<16xf32>
        %swap3A_280 = vector.shape_cast %max3A_273 : vector<16xf32> to vector<1x16xf32>
        tpu.vector_store %arg11[%swap3A_276, %swap3A_277], %swap3A_280 {strides = array<i32>} : memref<200x128xf32, #tpu.memory_space<vmem>>, vector<1x16xf32>,
        %add3A_281 = arith.constant 1 : i32
        %add3A_282 = arith.addi %mul3A_99, %add3A_281 : i32
        %get3A_283 = arith.index_cast %add3A_282 : i32 to index
        %get3A_284 = arith.constant 0 : index
        %get3A_285 = tpu.vector_load %arg11[%get3A_283, %get3A_284] {strides = array<i32>} : memref<200x128xf32, #tpu.memory_space<vmem>>, vector<1x16xf32>,
        %get3A_286 = vector.shape_cast %get3A_285 : vector<1x16xf32> to vector<16xf32>
        %add3A_287 = arith.constant 1 : i32
        %add3A_288 = arith.addi %mul3A_99, %add3A_287 : i32
        %get3A_289 = arith.index_cast %add3A_288 : i32 to index
        %get3A_290 = arith.constant 0 : index
        %get3A_291 = tpu.vector_load %arg12[%get3A_289, %get3A_290] {strides = array<i32>} : memref<200x128xf32, #tpu.memory_space<vmem>>, vector<1x16xf32>,
        %get3A_292 = vector.shape_cast %get3A_291 : vector<1x16xf32> to vector<16xf32>
        %add3A_293 = arith.addf %get3A_286, %get3A_292 : vector<16xf32>
        %max3A_294 = arith.constant 0.000000e+00 : f32
        %max3A_295 = vector.broadcast %max3A_294 : f32 to vector<16xf32>
        %max3A_296 = arith.maximumf %add3A_293, %max3A_295 : vector<16xf32>
        %add3A_297 = arith.constant 1 : i32
        %add3A_298 = arith.addi %mul3A_99, %add3A_297 : i32
        %swap3A_299 = arith.index_cast %add3A_298 : i32 to index
        %swap3A_300 = arith.constant 0 : index
        %swap3A_301 = tpu.vector_load %arg11[%swap3A_299, %swap3A_300] {strides = array<i32>} : memref<200x128xf32, #tpu.memory_space<vmem>>, vector<1x16xf32>,
        %swap3A_302 = vector.shape_cast %swap3A_301 : vector<1x16xf32> to vector<16xf32>
        %swap3A_303 = vector.shape_cast %max3A_296 : vector<16xf32> to vector<1x16xf32>
        tpu.vector_store %arg11[%swap3A_299, %swap3A_300], %swap3A_303 {strides = array<i32>} : memref<200x128xf32, #tpu.memory_space<vmem>>, vector<1x16xf32>,
        %add3A_304 = arith.constant 1 : i32
        %add3A_305 = arith.addi %mul3A_99, %add3A_304 : i32
        %get3A_306 = arith.index_cast %add3A_305 : i32 to index
        %get3A_307 = arith.constant 16 : index
        %get3A_308 = tpu.vector_load %arg11[%get3A_306, %get3A_307] {strides = array<i32>} : memref<200x128xf32, #tpu.memory_space<vmem>>, vector<1x16xf32>,
        %get3A_309 = vector.shape_cast %get3A_308 : vector<1x16xf32> to vector<16xf32>
        %add3A_310 = arith.constant 1 : i32
        %add3A_311 = arith.addi %mul3A_99, %add3A_310 : i32
        %get3A_312 = arith.index_cast %add3A_311 : i32 to index
        %get3A_313 = arith.constant 16 : index
        %get3A_314 = tpu.vector_load %arg12[%get3A_312, %get3A_313] {strides = array<i32>} : memref<200x128xf32, #tpu.memory_space<vmem>>, vector<1x16xf32>,
        %get3A_315 = vector.shape_cast %get3A_314 : vector<1x16xf32> to vector<16xf32>
        %add3A_316 = arith.addf %get3A_309, %get3A_315 : vector<16xf32>
        %max3A_317 = arith.constant 0.000000e+00 : f32
        %max3A_318 = vector.broadcast %max3A_317 : f32 to vector<16xf32>
        %max3A_319 = arith.maximumf %add3A_316, %max3A_318 : vector<16xf32>
        %add3A_320 = arith.constant 1 : i32
        %add3A_321 = arith.addi %mul3A_99, %add3A_320 : i32
        %swap3A_322 = arith.index_cast %add3A_321 : i32 to index
        %swap3A_323 = arith.constant 16 : index
        %swap3A_324 = tpu.vector_load %arg11[%swap3A_322, %swap3A_323] {strides = array<i32>} : memref<200x128xf32, #tpu.memory_space<vmem>>, vector<1x16xf32>,
        %swap3A_325 = vector.shape_cast %swap3A_324 : vector<1x16xf32> to vector<16xf32>
        %swap3A_326 = vector.shape_cast %max3A_319 : vector<16xf32> to vector<1x16xf32>
        tpu.vector_store %arg11[%swap3A_322, %swap3A_323], %swap3A_326 {strides = array<i32>} : memref<200x128xf32, #tpu.memory_space<vmem>>, vector<1x16xf32>,
        %add3A_327 = arith.constant 1 : i32
        %add3A_328 = arith.addi %mul3A_99, %add3A_327 : i32
        %get3A_329 = arith.index_cast %add3A_328 : i32 to index
        %get3A_330 = arith.constant 32 : index
        %get3A_331 = tpu.vector_load %arg11[%get3A_329, %get3A_330] {strides = array<i32>} : memref<200x128xf32, #tpu.memory_space<vmem>>, vector<1x16xf32>,
        %get3A_332 = vector.shape_cast %get3A_331 : vector<1x16xf32> to vector<16xf32>
        %add3A_333 = arith.constant 1 : i32
        %add3A_334 = arith.addi %mul3A_99, %add3A_333 : i32
        %get3A_335 = arith.index_cast %add3A_334 : i32 to index
        %get3A_336 = arith.constant 32 : index
        %get3A_337 = tpu.vector_load %arg12[%get3A_335, %get3A_336] {strides = array<i32>} : memref<200x128xf32, #tpu.memory_space<vmem>>, vector<1x16xf32>,
        %get3A_338 = vector.shape_cast %get3A_337 : vector<1x16xf32> to vector<16xf32>
        %add3A_339 = arith.addf %get3A_332, %get3A_338 : vector<16xf32>
        %max3A_340 = arith.constant 0.000000e+00 : f32
        %max3A_341 = vector.broadcast %max3A_340 : f32 to vector<16xf32>
        %max3A_342 = arith.maximumf %add3A_339, %max3A_341 : vector<16xf32>
        %add3A_343 = arith.constant 1 : i32
        %add3A_344 = arith.addi %mul3A_99, %add3A_343 : i32
        %swap3A_345 = arith.index_cast %add3A_344 : i32 to index
        %swap3A_346 = arith.constant 32 : index
        %swap3A_347 = tpu.vector_load %arg11[%swap3A_345, %swap3A_346] {strides = array<i32>} : memref<200x128xf32, #tpu.memory_space<vmem>>, vector<1x16xf32>,
        %swap3A_348 = vector.shape_cast %swap3A_347 : vector<1x16xf32> to vector<16xf32>
        %swap3A_349 = vector.shape_cast %max3A_342 : vector<16xf32> to vector<1x16xf32>
        tpu.vector_store %arg11[%swap3A_345, %swap3A_346], %swap3A_349 {strides = array<i32>} : memref<200x128xf32, #tpu.memory_space<vmem>>, vector<1x16xf32>,
        %add3A_350 = arith.constant 1 : i32
        %add3A_351 = arith.addi %mul3A_99, %add3A_350 : i32
        %get3A_352 = arith.index_cast %add3A_351 : i32 to index
        %get3A_353 = arith.constant 48 : index
        %get3A_354 = tpu.vector_load %arg11[%get3A_352, %get3A_353] {strides = array<i32>} : memref<200x128xf32, #tpu.memory_space<vmem>>, vector<1x16xf32>,
        %get3A_355 = vector.shape_cast %get3A_354 : vector<1x16xf32> to vector<16xf32>
        %add3A_356 = arith.constant 1 : i32
        %add3A_357 = arith.addi %mul3A_99, %add3A_356 : i32
        %get3A_358 = arith.index_cast %add3A_357 : i32 to index
        %get3A_359 = arith.constant 48 : index
        %get3A_360 = tpu.vector_load %arg12[%get3A_358, %get3A_359] {strides = array<i32>} : memref<200x128xf32, #tpu.memory_space<vmem>>, vector<1x16xf32>,
        %get3A_361 = vector.shape_cast %get3A_360 : vector<1x16xf32> to vector<16xf32>
        %add3A_362 = arith.addf %get3A_355, %get3A_361 : vector<16xf32>
        %max3A_363 = arith.constant 0.000000e+00 : f32
        %max3A_364 = vector.broadcast %max3A_363 : f32 to vector<16xf32>
        %max3A_365 = arith.maximumf %add3A_362, %max3A_364 : vector<16xf32>
        %add3A_366 = arith.constant 1 : i32
        %add3A_367 = arith.addi %mul3A_99, %add3A_366 : i32
        %swap3A_368 = arith.index_cast %add3A_367 : i32 to index
        %swap3A_369 = arith.constant 48 : index
        %swap3A_370 = tpu.vector_load %arg11[%swap3A_368, %swap3A_369] {strides = array<i32>} : memref<200x128xf32, #tpu.memory_space<vmem>>, vector<1x16xf32>,
        %swap3A_371 = vector.shape_cast %swap3A_370 : vector<1x16xf32> to vector<16xf32>
        %swap3A_372 = vector.shape_cast %max3A_365 : vector<16xf32> to vector<1x16xf32>
        tpu.vector_store %arg11[%swap3A_368, %swap3A_369], %swap3A_372 {strides = array<i32>} : memref<200x128xf32, #tpu.memory_space<vmem>>, vector<1x16xf32>,
        %add3A_373 = arith.constant 1 : i32
        %add3A_374 = arith.addi %mul3A_99, %add3A_373 : i32
        %get3A_375 = arith.index_cast %add3A_374 : i32 to index
        %get3A_376 = arith.constant 64 : index
        %get3A_377 = tpu.vector_load %arg11[%get3A_375, %get3A_376] {strides = array<i32>} : memref<200x128xf32, #tpu.memory_space<vmem>>, vector<1x16xf32>,
        %get3A_378 = vector.shape_cast %get3A_377 : vector<1x16xf32> to vector<16xf32>
        %add3A_379 = arith.constant 1 : i32
        %add3A_380 = arith.addi %mul3A_99, %add3A_379 : i32
        %get3A_381 = arith.index_cast %add3A_380 : i32 to index
        %get3A_382 = arith.constant 64 : index
        %get3A_383 = tpu.vector_load %arg12[%get3A_381, %get3A_382] {strides = array<i32>} : memref<200x128xf32, #tpu.memory_space<vmem>>, vector<1x16xf32>,
        %get3A_384 = vector.shape_cast %get3A_383 : vector<1x16xf32> to vector<16xf32>
        %add3A_385 = arith.addf %get3A_378, %get3A_384 : vector<16xf32>
        %max3A_386 = arith.constant 0.000000e+00 : f32
        %max3A_387 = vector.broadcast %max3A_386 : f32 to vector<16xf32>
        %max3A_388 = arith.maximumf %add3A_385, %max3A_387 : vector<16xf32>
        %add3A_389 = arith.constant 1 : i32
        %add3A_390 = arith.addi %mul3A_99, %add3A_389 : i32
        %swap3A_391 = arith.index_cast %add3A_390 : i32 to index
        %swap3A_392 = arith.constant 64 : index
        %swap3A_393 = tpu.vector_load %arg11[%swap3A_391, %swap3A_392] {strides = array<i32>} : memref<200x128xf32, #tpu.memory_space<vmem>>, vector<1x16xf32>,
        %swap3A_394 = vector.shape_cast %swap3A_393 : vector<1x16xf32> to vector<16xf32>
        %swap3A_395 = vector.shape_cast %max3A_388 : vector<16xf32> to vector<1x16xf32>
        tpu.vector_store %arg11[%swap3A_391, %swap3A_392], %swap3A_395 {strides = array<i32>} : memref<200x128xf32, #tpu.memory_space<vmem>>, vector<1x16xf32>,
        %add3A_396 = arith.constant 1 : i32
        %add3A_397 = arith.addi %mul3A_99, %add3A_396 : i32
        %get3A_398 = arith.index_cast %add3A_397 : i32 to index
        %get3A_399 = arith.constant 80 : index
        %get3A_400 = tpu.vector_load %arg11[%get3A_398, %get3A_399] {strides = array<i32>} : memref<200x128xf32, #tpu.memory_space<vmem>>, vector<1x16xf32>,
        %get3A_401 = vector.shape_cast %get3A_400 : vector<1x16xf32> to vector<16xf32>
        %add3A_402 = arith.constant 1 : i32
        %add3A_403 = arith.addi %mul3A_99, %add3A_402 : i32
        %get3A_404 = arith.index_cast %add3A_403 : i32 to index
        %get3A_405 = arith.constant 80 : index
        %get3A_406 = tpu.vector_load %arg12[%get3A_404, %get3A_405] {strides = array<i32>} : memref<200x128xf32, #tpu.memory_space<vmem>>, vector<1x16xf32>,
        %get3A_407 = vector.shape_cast %get3A_406 : vector<1x16xf32> to vector<16xf32>
        %add3A_408 = arith.addf %get3A_401, %get3A_407 : vector<16xf32>
        %max3A_409 = arith.constant 0.000000e+00 : f32
        %max3A_410 = vector.broadcast %max3A_409 : f32 to vector<16xf32>
        %max3A_411 = arith.maximumf %add3A_408, %max3A_410 : vector<16xf32>
        %add3A_412 = arith.constant 1 : i32
        %add3A_413 = arith.addi %mul3A_99, %add3A_412 : i32
        %swap3A_414 = arith.index_cast %add3A_413 : i32 to index
        %swap3A_415 = arith.constant 80 : index
        %swap3A_416 = tpu.vector_load %arg11[%swap3A_414, %swap3A_415] {strides = array<i32>} : memref<200x128xf32, #tpu.memory_space<vmem>>, vector<1x16xf32>,
        %swap3A_417 = vector.shape_cast %swap3A_416 : vector<1x16xf32> to vector<16xf32>
        %swap3A_418 = vector.shape_cast %max3A_411 : vector<16xf32> to vector<1x16xf32>
        tpu.vector_store %arg11[%swap3A_414, %swap3A_415], %swap3A_418 {strides = array<i32>} : memref<200x128xf32, #tpu.memory_space<vmem>>, vector<1x16xf32>,
        %add3A_419 = arith.constant 1 : i32
        %add3A_420 = arith.addi %mul3A_99, %add3A_419 : i32
        %get3A_421 = arith.index_cast %add3A_420 : i32 to index
        %get3A_422 = arith.constant 96 : index
        %get3A_423 = tpu.vector_load %arg11[%get3A_421, %get3A_422] {strides = array<i32>} : memref<200x128xf32, #tpu.memory_space<vmem>>, vector<1x16xf32>,
        %get3A_424 = vector.shape_cast %get3A_423 : vector<1x16xf32> to vector<16xf32>
        %add3A_425 = arith.constant 1 : i32
        %add3A_426 = arith.addi %mul3A_99, %add3A_425 : i32
        %get3A_427 = arith.index_cast %add3A_426 : i32 to index
        %get3A_428 = arith.constant 96 : index
        %get3A_429 = tpu.vector_load %arg12[%get3A_427, %get3A_428] {strides = array<i32>} : memref<200x128xf32, #tpu.memory_space<vmem>>, vector<1x16xf32>,
        %get3A_430 = vector.shape_cast %get3A_429 : vector<1x16xf32> to vector<16xf32>
        %add3A_431 = arith.addf %get3A_424, %get3A_430 : vector<16xf32>
        %max3A_432 = arith.constant 0.000000e+00 : f32
        %max3A_433 = vector.broadcast %max3A_432 : f32 to vector<16xf32>
        %max3A_434 = arith.maximumf %add3A_431, %max3A_433 : vector<16xf32>
        %add3A_435 = arith.constant 1 : i32
        %add3A_436 = arith.addi %mul3A_99, %add3A_435 : i32
        %swap3A_437 = arith.index_cast %add3A_436 : i32 to index
        %swap3A_438 = arith.constant 96 : index
        %swap3A_439 = tpu.vector_load %arg11[%swap3A_437, %swap3A_438] {strides = array<i32>} : memref<200x128xf32, #tpu.memory_space<vmem>>, vector<1x16xf32>,
        %swap3A_440 = vector.shape_cast %swap3A_439 : vector<1x16xf32> to vector<16xf32>
        %swap3A_441 = vector.shape_cast %max3A_434 : vector<16xf32> to vector<1x16xf32>
        tpu.vector_store %arg11[%swap3A_437, %swap3A_438], %swap3A_441 {strides = array<i32>} : memref<200x128xf32, #tpu.memory_space<vmem>>, vector<1x16xf32>,
        %add3A_442 = arith.constant 1 : i32
        %add3A_443 = arith.addi %mul3A_99, %add3A_442 : i32
        %get3A_444 = arith.index_cast %add3A_443 : i32 to index
        %get3A_445 = arith.constant 112 : index
        %get3A_446 = tpu.vector_load %arg11[%get3A_444, %get3A_445] {strides = array<i32>} : memref<200x128xf32, #tpu.memory_space<vmem>>, vector<1x16xf32>,
        %get3A_447 = vector.shape_cast %get3A_446 : vector<1x16xf32> to vector<16xf32>
        %add3A_448 = arith.constant 1 : i32
        %add3A_449 = arith.addi %mul3A_99, %add3A_448 : i32
        %get3A_450 = arith.index_cast %add3A_449 : i32 to index
        %get3A_451 = arith.constant 112 : index
        %get3A_452 = tpu.vector_load %arg12[%get3A_450, %get3A_451] {strides = array<i32>} : memref<200x128xf32, #tpu.memory_space<vmem>>, vector<1x16xf32>,
        %get3A_453 = vector.shape_cast %get3A_452 : vector<1x16xf32> to vector<16xf32>
        %add3A_454 = arith.addf %get3A_447, %get3A_453 : vector<16xf32>
        %max3A_455 = arith.constant 0.000000e+00 : f32
        %max3A_456 = vector.broadcast %max3A_455 : f32 to vector<16xf32>
        %max3A_457 = arith.maximumf %add3A_454, %max3A_456 : vector<16xf32>
        %add3A_458 = arith.constant 1 : i32
        %add3A_459 = arith.addi %mul3A_99, %add3A_458 : i32
        %swap3A_460 = arith.index_cast %add3A_459 : i32 to index
        %swap3A_461 = arith.constant 112 : index
        %swap3A_462 = tpu.vector_load %arg11[%swap3A_460, %swap3A_461] {strides = array<i32>} : memref<200x128xf32, #tpu.memory_space<vmem>>, vector<1x16xf32>,
        %swap3A_463 = vector.shape_cast %swap3A_462 : vector<1x16xf32> to vector<16xf32>
        %swap3A_464 = vector.shape_cast %max3A_457 : vector<16xf32> to vector<1x16xf32>
        tpu.vector_store %arg11[%swap3A_460, %swap3A_461], %swap3A_464 {strides = array<i32>} : memref<200x128xf32, #tpu.memory_space<vmem>>, vector<1x16xf32>,
        %add3A_465 = arith.constant 2 : i32
        %add3A_466 = arith.addi %mul3A_99, %add3A_465 : i32
        %get3A_467 = arith.index_cast %add3A_466 : i32 to index
        %get3A_468 = arith.constant 0 : index
        %get3A_469 = tpu.vector_load %arg11[%get3A_467, %get3A_468] {strides = array<i32>} : memref<200x128xf32, #tpu.memory_space<vmem>>, vector<1x16xf32>,
        %get3A_470 = vector.shape_cast %get3A_469 : vector<1x16xf32> to vector<16xf32>
        %add3A_471 = arith.constant 2 : i32
        %add3A_472 = arith.addi %mul3A_99, %add3A_471 : i32
        %get3A_473 = arith.index_cast %add3A_472 : i32 to index
        %get3A_474 = arith.constant 0 : index
        %get3A_475 = tpu.vector_load %arg12[%get3A_473, %get3A_474] {strides = array<i32>} : memref<200x128xf32, #tpu.memory_space<vmem>>, vector<1x16xf32>,
        %get3A_476 = vector.shape_cast %get3A_475 : vector<1x16xf32> to vector<16xf32>
        %add3A_477 = arith.addf %get3A_470, %get3A_476 : vector<16xf32>
        %max3A_478 = arith.constant 0.000000e+00 : f32
        %max3A_479 = vector.broadcast %max3A_478 : f32 to vector<16xf32>
        %max3A_480 = arith.maximumf %add3A_477, %max3A_479 : vector<16xf32>
        %add3A_481 = arith.constant 2 : i32
        %add3A_482 = arith.addi %mul3A_99, %add3A_481 : i32
        %swap3A_483 = arith.index_cast %add3A_482 : i32 to index
        %swap3A_484 = arith.constant 0 : index
        %swap3A_485 = tpu.vector_load %arg11[%swap3A_483, %swap3A_484] {strides = array<i32>} : memref<200x128xf32, #tpu.memory_space<vmem>>, vector<1x16xf32>,
        %swap3A_486 = vector.shape_cast %swap3A_485 : vector<1x16xf32> to vector<16xf32>
        %swap3A_487 = vector.shape_cast %max3A_480 : vector<16xf32> to vector<1x16xf32>
        tpu.vector_store %arg11[%swap3A_483, %swap3A_484], %swap3A_487 {strides = array<i32>} : memref<200x128xf32, #tpu.memory_space<vmem>>, vector<1x16xf32>,
        %add3A_488 = arith.constant 2 : i32
        %add3A_489 = arith.addi %mul3A_99, %add3A_488 : i32
        %get3A_490 = arith.index_cast %add3A_489 : i32 to index
        %get3A_491 = arith.constant 16 : index
        %get3A_492 = tpu.vector_load %arg11[%get3A_490, %get3A_491] {strides = array<i32>} : memref<200x128xf32, #tpu.memory_space<vmem>>, vector<1x16xf32>,
        %get3A_493 = vector.shape_cast %get3A_492 : vector<1x16xf32> to vector<16xf32>
        %add3A_494 = arith.constant 2 : i32
        %add3A_495 = arith.addi %mul3A_99, %add3A_494 : i32
        %get3A_496 = arith.index_cast %add3A_495 : i32 to index
        %get3A_497 = arith.constant 16 : index
        %get3A_498 = tpu.vector_load %arg12[%get3A_496, %get3A_497] {strides = array<i32>} : memref<200x128xf32, #tpu.memory_space<vmem>>, vector<1x16xf32>,
        %get3A_499 = vector.shape_cast %get3A_498 : vector<1x16xf32> to vector<16xf32>
        %add3A_500 = arith.addf %get3A_493, %get3A_499 : vector<16xf32>
        %max3A_501 = arith.constant 0.000000e+00 : f32
        %max3A_502 = vector.broadcast %max3A_501 : f32 to vector<16xf32>
        %max3A_503 = arith.maximumf %add3A_500, %max3A_502 : vector<16xf32>
        %add3A_504 = arith.constant 2 : i32
        %add3A_505 = arith.addi %mul3A_99, %add3A_504 : i32
        %swap3A_506 = arith.index_cast %add3A_505 : i32 to index
        %swap3A_507 = arith.constant 16 : index
        %swap3A_508 = tpu.vector_load %arg11[%swap3A_506, %swap3A_507] {strides = array<i32>} : memref<200x128xf32, #tpu.memory_space<vmem>>, vector<1x16xf32>,
        %swap3A_509 = vector.shape_cast %swap3A_508 : vector<1x16xf32> to vector<16xf32>
        %swap3A_510 = vector.shape_cast %max3A_503 : vector<16xf32> to vector<1x16xf32>
        tpu.vector_store %arg11[%swap3A_506, %swap3A_507], %swap3A_510 {strides = array<i32>} : memref<200x128xf32, #tpu.memory_space<vmem>>, vector<1x16xf32>,
        %add3A_511 = arith.constant 2 : i32
        %add3A_512 = arith.addi %mul3A_99, %add3A_511 : i32
        %get3A_513 = arith.index_cast %add3A_512 : i32 to index
        %get3A_514 = arith.constant 32 : index
        %get3A_515 = tpu.vector_load %arg11[%get3A_513, %get3A_514] {strides = array<i32>} : memref<200x128xf32, #tpu.memory_space<vmem>>, vector<1x16xf32>,
        %get3A_516 = vector.shape_cast %get3A_515 : vector<1x16xf32> to vector<16xf32>
        %add3A_517 = arith.constant 2 : i32
        %add3A_518 = arith.addi %mul3A_99, %add3A_517 : i32
        %get3A_519 = arith.index_cast %add3A_518 : i32 to index
        %get3A_520 = arith.constant 32 : index
        %get3A_521 = tpu.vector_load %arg12[%get3A_519, %get3A_520] {strides = array<i32>} : memref<200x128xf32, #tpu.memory_space<vmem>>, vector<1x16xf32>,
        %get3A_522 = vector.shape_cast %get3A_521 : vector<1x16xf32> to vector<16xf32>
        %add3A_523 = arith.addf %get3A_516, %get3A_522 : vector<16xf32>
        %max3A_524 = arith.constant 0.000000e+00 : f32
        %max3A_525 = vector.broadcast %max3A_524 : f32 to vector<16xf32>
        %max3A_526 = arith.maximumf %add3A_523, %max3A_525 : vector<16xf32>
        %add3A_527 = arith.constant 2 : i32
        %add3A_528 = arith.addi %mul3A_99, %add3A_527 : i32
        %swap3A_529 = arith.index_cast %add3A_528 : i32 to index
        %swap3A_530 = arith.constant 32 : index
        %swap3A_531 = tpu.vector_load %arg11[%swap3A_529, %swap3A_530] {strides = array<i32>} : memref<200x128xf32, #tpu.memory_space<vmem>>, vector<1x16xf32>,
        %swap3A_532 = vector.shape_cast %swap3A_531 : vector<1x16xf32> to vector<16xf32>
        %swap3A_533 = vector.shape_cast %max3A_526 : vector<16xf32> to vector<1x16xf32>
        tpu.vector_store %arg11[%swap3A_529, %swap3A_530], %swap3A_533 {strides = array<i32>} : memref<200x128xf32, #tpu.memory_space<vmem>>, vector<1x16xf32>,
        %add3A_534 = arith.constant 2 : i32
        %add3A_535 = arith.addi %mul3A_99, %add3A_534 : i32
        %get3A_536 = arith.index_cast %add3A_535 : i32 to index
        %get3A_537 = arith.constant 48 : index
        %get3A_538 = tpu.vector_load %arg11[%get3A_536, %get3A_537] {strides = array<i32>} : memref<200x128xf32, #tpu.memory_space<vmem>>, vector<1x16xf32>,
        %get3A_539 = vector.shape_cast %get3A_538 : vector<1x16xf32> to vector<16xf32>
        %add3A_540 = arith.constant 2 : i32
        %add3A_541 = arith.addi %mul3A_99, %add3A_540 : i32
        %get3A_542 = arith.index_cast %add3A_541 : i32 to index
        %get3A_543 = arith.constant 48 : index
        %get3A_544 = tpu.vector_load %arg12[%get3A_542, %get3A_543] {strides = array<i32>} : memref<200x128xf32, #tpu.memory_space<vmem>>, vector<1x16xf32>,
        %get3A_545 = vector.shape_cast %get3A_544 : vector<1x16xf32> to vector<16xf32>
        %add3A_546 = arith.addf %get3A_539, %get3A_545 : vector<16xf32>
        %max3A_547 = arith.constant 0.000000e+00 : f32
        %max3A_548 = vector.broadcast %max3A_547 : f32 to vector<16xf32>
        %max3A_549 = arith.maximumf %add3A_546, %max3A_548 : vector<16xf32>
        %add3A_550 = arith.constant 2 : i32
        %add3A_551 = arith.addi %mul3A_99, %add3A_550 : i32
        %swap3A_552 = arith.index_cast %add3A_551 : i32 to index
        %swap3A_553 = arith.constant 48 : index
        %swap3A_554 = tpu.vector_load %arg11[%swap3A_552, %swap3A_553] {strides = array<i32>} : memref<200x128xf32, #tpu.memory_space<vmem>>, vector<1x16xf32>,
        %swap3A_555 = vector.shape_cast %swap3A_554 : vector<1x16xf32> to vector<16xf32>
        %swap3A_556 = vector.shape_cast %max3A_549 : vector<16xf32> to vector<1x16xf32>
        tpu.vector_store %arg11[%swap3A_552, %swap3A_553], %swap3A_556 {strides = array<i32>} : memref<200x128xf32, #tpu.memory_space<vmem>>, vector<1x16xf32>,
        %add3A_557 = arith.constant 2 : i32
        %add3A_558 = arith.addi %mul3A_99, %add3A_557 : i32
        %get3A_559 = arith.index_cast %add3A_558 : i32 to index
        %get3A_560 = arith.constant 64 : index
        %get3A_561 = tpu.vector_load %arg11[%get3A_559, %get3A_560] {strides = array<i32>} : memref<200x128xf32, #tpu.memory_space<vmem>>, vector<1x16xf32>,
        %get3A_562 = vector.shape_cast %get3A_561 : vector<1x16xf32> to vector<16xf32>
        %add3A_563 = arith.constant 2 : i32
        %add3A_564 = arith.addi %mul3A_99, %add3A_563 : i32
        %get3A_565 = arith.index_cast %add3A_564 : i32 to index
        %get3A_566 = arith.constant 64 : index
        %get3A_567 = tpu.vector_load %arg12[%get3A_565, %get3A_566] {strides = array<i32>} : memref<200x128xf32, #tpu.memory_space<vmem>>, vector<1x16xf32>,
        %get3A_568 = vector.shape_cast %get3A_567 : vector<1x16xf32> to vector<16xf32>
        %add3A_569 = arith.addf %get3A_562, %get3A_568 : vector<16xf32>
        %max3A_570 = arith.constant 0.000000e+00 : f32
        %max3A_571 = vector.broadcast %max3A_570 : f32 to vector<16xf32>
        %max3A_572 = arith.maximumf %add3A_569, %max3A_571 : vector<16xf32>
        %add3A_573 = arith.constant 2 : i32
        %add3A_574 = arith.addi %mul3A_99, %add3A_573 : i32
        %swap3A_575 = arith.index_cast %add3A_574 : i32 to index
        %swap3A_576 = arith.constant 64 : index
        %swap3A_577 = tpu.vector_load %arg11[%swap3A_575, %swap3A_576] {strides = array<i32>} : memref<200x128xf32, #tpu.memory_space<vmem>>, vector<1x16xf32>,
        %swap3A_578 = vector.shape_cast %swap3A_577 : vector<1x16xf32> to vector<16xf32>
        %swap3A_579 = vector.shape_cast %max3A_572 : vector<16xf32> to vector<1x16xf32>
        tpu.vector_store %arg11[%swap3A_575, %swap3A_576], %swap3A_579 {strides = array<i32>} : memref<200x128xf32, #tpu.memory_space<vmem>>, vector<1x16xf32>,
        %add3A_580 = arith.constant 2 : i32
        %add3A_581 = arith.addi %mul3A_99, %add3A_580 : i32
        %get3A_582 = arith.index_cast %add3A_581 : i32 to index
        %get3A_583 = arith.constant 80 : index
        %get3A_584 = tpu.vector_load %arg11[%get3A_582, %get3A_583] {strides = array<i32>} : memref<200x128xf32, #tpu.memory_space<vmem>>, vector<1x16xf32>,
        %get3A_585 = vector.shape_cast %get3A_584 : vector<1x16xf32> to vector<16xf32>
        %add3A_586 = arith.constant 2 : i32
        %add3A_587 = arith.addi %mul3A_99, %add3A_586 : i32
        %get3A_588 = arith.index_cast %add3A_587 : i32 to index
        %get3A_589 = arith.constant 80 : index
        %get3A_590 = tpu.vector_load %arg12[%get3A_588, %get3A_589] {strides = array<i32>} : memref<200x128xf32, #tpu.memory_space<vmem>>, vector<1x16xf32>,
        %get3A_591 = vector.shape_cast %get3A_590 : vector<1x16xf32> to vector<16xf32>
        %add3A_592 = arith.addf %get3A_585, %get3A_591 : vector<16xf32>
        %max3A_593 = arith.constant 0.000000e+00 : f32
        %max3A_594 = vector.broadcast %max3A_593 : f32 to vector<16xf32>
        %max3A_595 = arith.maximumf %add3A_592, %max3A_594 : vector<16xf32>
        %add3A_596 = arith.constant 2 : i32
        %add3A_597 = arith.addi %mul3A_99, %add3A_596 : i32
        %swap3A_598 = arith.index_cast %add3A_597 : i32 to index
        %swap3A_599 = arith.constant 80 : index
        %swap3A_600 = tpu.vector_load %arg11[%swap3A_598, %swap3A_599] {strides = array<i32>} : memref<200x128xf32, #tpu.memory_space<vmem>>, vector<1x16xf32>,
        %swap3A_601 = vector.shape_cast %swap3A_600 : vector<1x16xf32> to vector<16xf32>
        %swap3A_602 = vector.shape_cast %max3A_595 : vector<16xf32> to vector<1x16xf32>
        tpu.vector_store %arg11[%swap3A_598, %swap3A_599], %swap3A_602 {strides = array<i32>} : memref<200x128xf32, #tpu.memory_space<vmem>>, vector<1x16xf32>,
        %add3A_603 = arith.constant 2 : i32
        %add3A_604 = arith.addi %mul3A_99, %add3A_603 : i32
        %get3A_605 = arith.index_cast %add3A_604 : i32 to index
        %get3A_606 = arith.constant 96 : index
        %get3A_607 = tpu.vector_load %arg11[%get3A_605, %get3A_606] {strides = array<i32>} : memref<200x128xf32, #tpu.memory_space<vmem>>, vector<1x16xf32>,
        %get3A_608 = vector.shape_cast %get3A_607 : vector<1x16xf32> to vector<16xf32>
        %add3A_609 = arith.constant 2 : i32
        %add3A_610 = arith.addi %mul3A_99, %add3A_609 : i32
        %get3A_611 = arith.index_cast %add3A_610 : i32 to index
        %get3A_612 = arith.constant 96 : index
        %get3A_613 = tpu.vector_load %arg12[%get3A_611, %get3A_612] {strides = array<i32>} : memref<200x128xf32, #tpu.memory_space<vmem>>, vector<1x16xf32>,
        %get3A_614 = vector.shape_cast %get3A_613 : vector<1x16xf32> to vector<16xf32>
        %add3A_615 = arith.addf %get3A_608, %get3A_614 : vector<16xf32>
        %max3A_616 = arith.constant 0.000000e+00 : f32
        %max3A_617 = vector.broadcast %max3A_616 : f32 to vector<16xf32>
        %max3A_618 = arith.maximumf %add3A_615, %max3A_617 : vector<16xf32>
        %add3A_619 = arith.constant 2 : i32
        %add3A_620 = arith.addi %mul3A_99, %add3A_619 : i32
        %swap3A_621 = arith.index_cast %add3A_620 : i32 to index
        %swap3A_622 = arith.constant 96 : index
        %swap3A_623 = tpu.vector_load %arg11[%swap3A_621, %swap3A_622] {strides = array<i32>} : memref<200x128xf32, #tpu.memory_space<vmem>>, vector<1x16xf32>,
        %swap3A_624 = vector.shape_cast %swap3A_623 : vector<1x16xf32> to vector<16xf32>
        %swap3A_625 = vector.shape_cast %max3A_618 : vector<16xf32> to vector<1x16xf32>
        tpu.vector_store %arg11[%swap3A_621, %swap3A_622], %swap3A_625 {strides = array<i32>} : memref<200x128xf32, #tpu.memory_space<vmem>>, vector<1x16xf32>,
        %add3A_626 = arith.constant 2 : i32
        %add3A_627 = arith.addi %mul3A_99, %add3A_626 : i32
        %get3A_628 = arith.index_cast %add3A_627 : i32 to index
        %get3A_629 = arith.constant 112 : index
        %get3A_630 = tpu.vector_load %arg11[%get3A_628, %get3A_629] {strides = array<i32>} : memref<200x128xf32, #tpu.memory_space<vmem>>, vector<1x16xf32>,
        %get3A_631 = vector.shape_cast %get3A_630 : vector<1x16xf32> to vector<16xf32>
        %add3A_632 = arith.constant 2 : i32
        %add3A_633 = arith.addi %mul3A_99, %add3A_632 : i32
        %get3A_634 = arith.index_cast %add3A_633 : i32 to index
        %get3A_635 = arith.constant 112 : index
        %get3A_636 = tpu.vector_load %arg12[%get3A_634, %get3A_635] {strides = array<i32>} : memref<200x128xf32, #tpu.memory_space<vmem>>, vector<1x16xf32>,
        %get3A_637 = vector.shape_cast %get3A_636 : vector<1x16xf32> to vector<16xf32>
        %add3A_638 = arith.addf %get3A_631, %get3A_637 : vector<16xf32>
        %max3A_639 = arith.constant 0.000000e+00 : f32
        %max3A_640 = vector.broadcast %max3A_639 : f32 to vector<16xf32>
        %max3A_641 = arith.maximumf %add3A_638, %max3A_640 : vector<16xf32>
        %add3A_642 = arith.constant 2 : i32
        %add3A_643 = arith.addi %mul3A_99, %add3A_642 : i32
        %swap3A_644 = arith.index_cast %add3A_643 : i32 to index
        %swap3A_645 = arith.constant 112 : index
        %swap3A_646 = tpu.vector_load %arg11[%swap3A_644, %swap3A_645] {strides = array<i32>} : memref<200x128xf32, #tpu.memory_space<vmem>>, vector<1x16xf32>,
        %swap3A_647 = vector.shape_cast %swap3A_646 : vector<1x16xf32> to vector<16xf32>
        %swap3A_648 = vector.shape_cast %max3A_641 : vector<16xf32> to vector<1x16xf32>
        tpu.vector_store %arg11[%swap3A_644, %swap3A_645], %swap3A_648 {strides = array<i32>} : memref<200x128xf32, #tpu.memory_space<vmem>>, vector<1x16xf32>,
        %add3A_649 = arith.constant 3 : i32
        %add3A_650 = arith.addi %mul3A_99, %add3A_649 : i32
        %get3A_651 = arith.index_cast %add3A_650 : i32 to index
        %get3A_652 = arith.constant 0 : index
        %get3A_653 = tpu.vector_load %arg11[%get3A_651, %get3A_652] {strides = array<i32>} : memref<200x128xf32, #tpu.memory_space<vmem>>, vector<1x16xf32>,
        %get3A_654 = vector.shape_cast %get3A_653 : vector<1x16xf32> to vector<16xf32>
        %add3A_655 = arith.constant 3 : i32
        %add3A_656 = arith.addi %mul3A_99, %add3A_655 : i32
        %get3A_657 = arith.index_cast %add3A_656 : i32 to index
        %get3A_658 = arith.constant 0 : index
        %get3A_659 = tpu.vector_load %arg12[%get3A_657, %get3A_658] {strides = array<i32>} : memref<200x128xf32, #tpu.memory_space<vmem>>, vector<1x16xf32>,
        %get3A_660 = vector.shape_cast %get3A_659 : vector<1x16xf32> to vector<16xf32>
        %add3A_661 = arith.addf %get3A_654, %get3A_660 : vector<16xf32>
        %max3A_662 = arith.constant 0.000000e+00 : f32
        %max3A_663 = vector.broadcast %max3A_662 : f32 to vector<16xf32>
        %max3A_664 = arith.maximumf %add3A_661, %max3A_663 : vector<16xf32>
        %add3A_665 = arith.constant 3 : i32
        %add3A_666 = arith.addi %mul3A_99, %add3A_665 : i32
        %swap3A_667 = arith.index_cast %add3A_666 : i32 to index
        %swap3A_668 = arith.constant 0 : index
        %swap3A_669 = tpu.vector_load %arg11[%swap3A_667, %swap3A_668] {strides = array<i32>} : memref<200x128xf32, #tpu.memory_space<vmem>>, vector<1x16xf32>,
        %swap3A_670 = vector.shape_cast %swap3A_669 : vector<1x16xf32> to vector<16xf32>
        %swap3A_671 = vector.shape_cast %max3A_664 : vector<16xf32> to vector<1x16xf32>
        tpu.vector_store %arg11[%swap3A_667, %swap3A_668], %swap3A_671 {strides = array<i32>} : memref<200x128xf32, #tpu.memory_space<vmem>>, vector<1x16xf32>,
        %add3A_672 = arith.constant 3 : i32
        %add3A_673 = arith.addi %mul3A_99, %add3A_672 : i32
        %get3A_674 = arith.index_cast %add3A_673 : i32 to index
        %get3A_675 = arith.constant 16 : index
        %get3A_676 = tpu.vector_load %arg11[%get3A_674, %get3A_675] {strides = array<i32>} : memref<200x128xf32, #tpu.memory_space<vmem>>, vector<1x16xf32>,
        %get3A_677 = vector.shape_cast %get3A_676 : vector<1x16xf32> to vector<16xf32>
        %add3A_678 = arith.constant 3 : i32
        %add3A_679 = arith.addi %mul3A_99, %add3A_678 : i32
        %get3A_680 = arith.index_cast %add3A_679 : i32 to index
        %get3A_681 = arith.constant 16 : index
        %get3A_682 = tpu.vector_load %arg12[%get3A_680, %get3A_681] {strides = array<i32>} : memref<200x128xf32, #tpu.memory_space<vmem>>, vector<1x16xf32>,
        %get3A_683 = vector.shape_cast %get3A_682 : vector<1x16xf32> to vector<16xf32>
        %add3A_684 = arith.addf %get3A_677, %get3A_683 : vector<16xf32>
        %max3A_685 = arith.constant 0.000000e+00 : f32
        %max3A_686 = vector.broadcast %max3A_685 : f32 to vector<16xf32>
        %max3A_687 = arith.maximumf %add3A_684, %max3A_686 : vector<16xf32>
        %add3A_688 = arith.constant 3 : i32
        %add3A_689 = arith.addi %mul3A_99, %add3A_688 : i32
        %swap3A_690 = arith.index_cast %add3A_689 : i32 to index
        %swap3A_691 = arith.constant 16 : index
        %swap3A_692 = tpu.vector_load %arg11[%swap3A_690, %swap3A_691] {strides = array<i32>} : memref<200x128xf32, #tpu.memory_space<vmem>>, vector<1x16xf32>,
        %swap3A_693 = vector.shape_cast %swap3A_692 : vector<1x16xf32> to vector<16xf32>
        %swap3A_694 = vector.shape_cast %max3A_687 : vector<16xf32> to vector<1x16xf32>
        tpu.vector_store %arg11[%swap3A_690, %swap3A_691], %swap3A_694 {strides = array<i32>} : memref<200x128xf32, #tpu.memory_space<vmem>>, vector<1x16xf32>,
        %add3A_695 = arith.constant 3 : i32
        %add3A_696 = arith.addi %mul3A_99, %add3A_695 : i32
        %get3A_697 = arith.index_cast %add3A_696 : i32 to index
        %get3A_698 = arith.constant 32 : index
        %get3A_699 = tpu.vector_load %arg11[%get3A_697, %get3A_698] {strides = array<i32>} : memref<200x128xf32, #tpu.memory_space<vmem>>, vector<1x16xf32>,
        %get3A_700 = vector.shape_cast %get3A_699 : vector<1x16xf32> to vector<16xf32>
        %add3A_701 = arith.constant 3 : i32
        %add3A_702 = arith.addi %mul3A_99, %add3A_701 : i32
        %get3A_703 = arith.index_cast %add3A_702 : i32 to index
        %get3A_704 = arith.constant 32 : index
        %get3A_705 = tpu.vector_load %arg12[%get3A_703, %get3A_704] {strides = array<i32>} : memref<200x128xf32, #tpu.memory_space<vmem>>, vector<1x16xf32>,
        %get3A_706 = vector.shape_cast %get3A_705 : vector<1x16xf32> to vector<16xf32>
        %add3A_707 = arith.addf %get3A_700, %get3A_706 : vector<16xf32>
        %max3A_708 = arith.constant 0.000000e+00 : f32
        %max3A_709 = vector.broadcast %max3A_708 : f32 to vector<16xf32>
        %max3A_710 = arith.maximumf %add3A_707, %max3A_709 : vector<16xf32>
        %add3A_711 = arith.constant 3 : i32
        %add3A_712 = arith.addi %mul3A_99, %add3A_711 : i32
        %swap3A_713 = arith.index_cast %add3A_712 : i32 to index
        %swap3A_714 = arith.constant 32 : index
        %swap3A_715 = tpu.vector_load %arg11[%swap3A_713, %swap3A_714] {strides = array<i32>} : memref<200x128xf32, #tpu.memory_space<vmem>>, vector<1x16xf32>,
        %swap3A_716 = vector.shape_cast %swap3A_715 : vector<1x16xf32> to vector<16xf32>
        %swap3A_717 = vector.shape_cast %max3A_710 : vector<16xf32> to vector<1x16xf32>
        tpu.vector_store %arg11[%swap3A_713, %swap3A_714], %swap3A_717 {strides = array<i32>} : memref<200x128xf32, #tpu.memory_space<vmem>>, vector<1x16xf32>,
        %add3A_718 = arith.constant 3 : i32
        %add3A_719 = arith.addi %mul3A_99, %add3A_718 : i32
        %get3A_720 = arith.index_cast %add3A_719 : i32 to index
        %get3A_721 = arith.constant 48 : index
        %get3A_722 = tpu.vector_load %arg11[%get3A_720, %get3A_721] {strides = array<i32>} : memref<200x128xf32, #tpu.memory_space<vmem>>, vector<1x16xf32>,
        %get3A_723 = vector.shape_cast %get3A_722 : vector<1x16xf32> to vector<16xf32>
        %add3A_724 = arith.constant 3 : i32
        %add3A_725 = arith.addi %mul3A_99, %add3A_724 : i32
        %get3A_726 = arith.index_cast %add3A_725 : i32 to index
        %get3A_727 = arith.constant 48 : index
        %get3A_728 = tpu.vector_load %arg12[%get3A_726, %get3A_727] {strides = array<i32>} : memref<200x128xf32, #tpu.memory_space<vmem>>, vector<1x16xf32>,
        %get3A_729 = vector.shape_cast %get3A_728 : vector<1x16xf32> to vector<16xf32>
        %add3A_730 = arith.addf %get3A_723, %get3A_729 : vector<16xf32>
        %max3A_731 = arith.constant 0.000000e+00 : f32
        %max3A_732 = vector.broadcast %max3A_731 : f32 to vector<16xf32>
        %max3A_733 = arith.maximumf %add3A_730, %max3A_732 : vector<16xf32>
        %add3A_734 = arith.constant 3 : i32
        %add3A_735 = arith.addi %mul3A_99, %add3A_734 : i32
        %swap3A_736 = arith.index_cast %add3A_735 : i32 to index
        %swap3A_737 = arith.constant 48 : index
        %swap3A_738 = tpu.vector_load %arg11[%swap3A_736, %swap3A_737] {strides = array<i32>} : memref<200x128xf32, #tpu.memory_space<vmem>>, vector<1x16xf32>,
        %swap3A_739 = vector.shape_cast %swap3A_738 : vector<1x16xf32> to vector<16xf32>
        %swap3A_740 = vector.shape_cast %max3A_733 : vector<16xf32> to vector<1x16xf32>
        tpu.vector_store %arg11[%swap3A_736, %swap3A_737], %swap3A_740 {strides = array<i32>} : memref<200x128xf32, #tpu.memory_space<vmem>>, vector<1x16xf32>,
        %add3A_741 = arith.constant 3 : i32
        %add3A_742 = arith.addi %mul3A_99, %add3A_741 : i32
        %get3A_743 = arith.index_cast %add3A_742 : i32 to index
        %get3A_744 = arith.constant 64 : index
        %get3A_745 = tpu.vector_load %arg11[%get3A_743, %get3A_744] {strides = array<i32>} : memref<200x128xf32, #tpu.memory_space<vmem>>, vector<1x16xf32>,
        %get3A_746 = vector.shape_cast %get3A_745 : vector<1x16xf32> to vector<16xf32>
        %add3A_747 = arith.constant 3 : i32
        %add3A_748 = arith.addi %mul3A_99, %add3A_747 : i32
        %get3A_749 = arith.index_cast %add3A_748 : i32 to index
        %get3A_750 = arith.constant 64 : index
        %get3A_751 = tpu.vector_load %arg12[%get3A_749, %get3A_750] {strides = array<i32>} : memref<200x128xf32, #tpu.memory_space<vmem>>, vector<1x16xf32>,
        %get3A_752 = vector.shape_cast %get3A_751 : vector<1x16xf32> to vector<16xf32>
        %add3A_753 = arith.addf %get3A_746, %get3A_752 : vector<16xf32>
        %max3A_754 = arith.constant 0.000000e+00 : f32
        %max3A_755 = vector.broadcast %max3A_754 : f32 to vector<16xf32>
        %max3A_756 = arith.maximumf %add3A_753, %max3A_755 : vector<16xf32>
        %add3A_757 = arith.constant 3 : i32
        %add3A_758 = arith.addi %mul3A_99, %add3A_757 : i32
        %swap3A_759 = arith.index_cast %add3A_758 : i32 to index
        %swap3A_760 = arith.constant 64 : index
        %swap3A_761 = tpu.vector_load %arg11[%swap3A_759, %swap3A_760] {strides = array<i32>} : memref<200x128xf32, #tpu.memory_space<vmem>>, vector<1x16xf32>,
        %swap3A_762 = vector.shape_cast %swap3A_761 : vector<1x16xf32> to vector<16xf32>
        %swap3A_763 = vector.shape_cast %max3A_756 : vector<16xf32> to vector<1x16xf32>
        tpu.vector_store %arg11[%swap3A_759, %swap3A_760], %swap3A_763 {strides = array<i32>} : memref<200x128xf32, #tpu.memory_space<vmem>>, vector<1x16xf32>,
        %add3A_764 = arith.constant 3 : i32
        %add3A_765 = arith.addi %mul3A_99, %add3A_764 : i32
        %get3A_766 = arith.index_cast %add3A_765 : i32 to index
        %get3A_767 = arith.constant 80 : index
        %get3A_768 = tpu.vector_load %arg11[%get3A_766, %get3A_767] {strides = array<i32>} : memref<200x128xf32, #tpu.memory_space<vmem>>, vector<1x16xf32>,
        %get3A_769 = vector.shape_cast %get3A_768 : vector<1x16xf32> to vector<16xf32>
        %add3A_770 = arith.constant 3 : i32
        %add3A_771 = arith.addi %mul3A_99, %add3A_770 : i32
        %get3A_772 = arith.index_cast %add3A_771 : i32 to index
        %get3A_773 = arith.constant 80 : index
        %get3A_774 = tpu.vector_load %arg12[%get3A_772, %get3A_773] {strides = array<i32>} : memref<200x128xf32, #tpu.memory_space<vmem>>, vector<1x16xf32>,
        %get3A_775 = vector.shape_cast %get3A_774 : vector<1x16xf32> to vector<16xf32>
        %add3A_776 = arith.addf %get3A_769, %get3A_775 : vector<16xf32>
        %max3A_777 = arith.constant 0.000000e+00 : f32
        %max3A_778 = vector.broadcast %max3A_777 : f32 to vector<16xf32>
        %max3A_779 = arith.maximumf %add3A_776, %max3A_778 : vector<16xf32>
        %add3A_780 = arith.constant 3 : i32
        %add3A_781 = arith.addi %mul3A_99, %add3A_780 : i32
        %swap3A_782 = arith.index_cast %add3A_781 : i32 to index
        %swap3A_783 = arith.constant 80 : index
        %swap3A_784 = tpu.vector_load %arg11[%swap3A_782, %swap3A_783] {strides = array<i32>} : memref<200x128xf32, #tpu.memory_space<vmem>>, vector<1x16xf32>,
        %swap3A_785 = vector.shape_cast %swap3A_784 : vector<1x16xf32> to vector<16xf32>
        %swap3A_786 = vector.shape_cast %max3A_779 : vector<16xf32> to vector<1x16xf32>
        tpu.vector_store %arg11[%swap3A_782, %swap3A_783], %swap3A_786 {strides = array<i32>} : memref<200x128xf32, #tpu.memory_space<vmem>>, vector<1x16xf32>,
        %add3A_787 = arith.constant 3 : i32
        %add3A_788 = arith.addi %mul3A_99, %add3A_787 : i32
        %get3A_789 = arith.index_cast %add3A_788 : i32 to index
        %get3A_790 = arith.constant 96 : index
        %get3A_791 = tpu.vector_load %arg11[%get3A_789, %get3A_790] {strides = array<i32>} : memref<200x128xf32, #tpu.memory_space<vmem>>, vector<1x16xf32>,
        %get3A_792 = vector.shape_cast %get3A_791 : vector<1x16xf32> to vector<16xf32>
        %add3A_793 = arith.constant 3 : i32
        %add3A_794 = arith.addi %mul3A_99, %add3A_793 : i32
        %get3A_795 = arith.index_cast %add3A_794 : i32 to index
        %get3A_796 = arith.constant 96 : index
        %get3A_797 = tpu.vector_load %arg12[%get3A_795, %get3A_796] {strides = array<i32>} : memref<200x128xf32, #tpu.memory_space<vmem>>, vector<1x16xf32>,
        %get3A_798 = vector.shape_cast %get3A_797 : vector<1x16xf32> to vector<16xf32>
        %add3A_799 = arith.addf %get3A_792, %get3A_798 : vector<16xf32>
        %max3A_800 = arith.constant 0.000000e+00 : f32
        %max3A_801 = vector.broadcast %max3A_800 : f32 to vector<16xf32>
        %max3A_802 = arith.maximumf %add3A_799, %max3A_801 : vector<16xf32>
        %add3A_803 = arith.constant 3 : i32
        %add3A_804 = arith.addi %mul3A_99, %add3A_803 : i32
        %swap3A_805 = arith.index_cast %add3A_804 : i32 to index
        %swap3A_806 = arith.constant 96 : index
        %swap3A_807 = tpu.vector_load %arg11[%swap3A_805, %swap3A_806] {strides = array<i32>} : memref<200x128xf32, #tpu.memory_space<vmem>>, vector<1x16xf32>,
        %swap3A_808 = vector.shape_cast %swap3A_807 : vector<1x16xf32> to vector<16xf32>
        %swap3A_809 = vector.shape_cast %max3A_802 : vector<16xf32> to vector<1x16xf32>
        tpu.vector_store %arg11[%swap3A_805, %swap3A_806], %swap3A_809 {strides = array<i32>} : memref<200x128xf32, #tpu.memory_space<vmem>>, vector<1x16xf32>,
        %add3A_810 = arith.constant 3 : i32
        %add3A_811 = arith.addi %mul3A_99, %add3A_810 : i32
        %get3A_812 = arith.index_cast %add3A_811 : i32 to index
        %get3A_813 = arith.constant 112 : index
        %get3A_814 = tpu.vector_load %arg11[%get3A_812, %get3A_813] {strides = array<i32>} : memref<200x128xf32, #tpu.memory_space<vmem>>, vector<1x16xf32>,
        %get3A_815 = vector.shape_cast %get3A_814 : vector<1x16xf32> to vector<16xf32>
        %add3A_816 = arith.constant 3 : i32
        %add3A_817 = arith.addi %mul3A_99, %add3A_816 : i32
        %get3A_818 = arith.index_cast %add3A_817 : i32 to index
        %get3A_819 = arith.constant 112 : index
        %get3A_820 = tpu.vector_load %arg12[%get3A_818, %get3A_819] {strides = array<i32>} : memref<200x128xf32, #tpu.memory_space<vmem>>, vector<1x16xf32>,
        %get3A_821 = vector.shape_cast %get3A_820 : vector<1x16xf32> to vector<16xf32>
        %add3A_822 = arith.addf %get3A_815, %get3A_821 : vector<16xf32>
        %max3A_823 = arith.constant 0.000000e+00 : f32
        %max3A_824 = vector.broadcast %max3A_823 : f32 to vector<16xf32>
        %max3A_825 = arith.maximumf %add3A_822, %max3A_824 : vector<16xf32>
        %add3A_826 = arith.constant 3 : i32
        %add3A_827 = arith.addi %mul3A_99, %add3A_826 : i32
        %swap3A_828 = arith.index_cast %add3A_827 : i32 to index
        %swap3A_829 = arith.constant 112 : index
        %swap3A_830 = tpu.vector_load %arg11[%swap3A_828, %swap3A_829] {strides = array<i32>} : memref<200x128xf32, #tpu.memory_space<vmem>>, vector<1x16xf32>,
        %swap3A_831 = vector.shape_cast %swap3A_830 : vector<1x16xf32> to vector<16xf32>
        %swap3A_832 = vector.shape_cast %max3A_825 : vector<16xf32> to vector<1x16xf32>
        tpu.vector_store %arg11[%swap3A_828, %swap3A_829], %swap3A_832 {strides = array<i32>} : memref<200x128xf32, #tpu.memory_space<vmem>>, vector<1x16xf32>,
      }
      %scan3A_89 = arith.constant 50 : i32
      %mul3A_90 = arith.constant 200 : i32
      %mul3A_91 = arith.muli %add3A_61, %mul3A_90 : i32
      %add3A_92 = arith.addi %mul3A_2, %mul3A_91 : i32
      %dma_start3A_93 = arith.constant 0 : i32
      %dma_start3A_94 = tpu.memref_slice %arg6[%add3A_92, %dma_start3A_93] : memref<320000x128xf32, #tpu.memory_space<hbm>> -> memref<200x128xf32, #tpu.memory_space<hbm>>
      %dma_start3A_95 = arith.constant 0 : i32
      %dma_start3A_96 = tpu.memref_slice %arg6[%add3A_92, %dma_start3A_95] : memref<320000x128xf32, #tpu.memory_space<hbm>> -> memref<200x128xf32, #tpu.memory_space<hbm>>
      tpu.enqueue_dma source(%arg11 : memref<200x128xf32, #tpu.memory_space<vmem>>) target(%dma_start3A_96 : memref<200x128xf32, #tpu.memory_space<hbm>>) target_semaphore(%arg16 : memref<!tpu.dma_semaphore, #tpu.memory_space<semaphore_mem>>)
    }
    %scan3A_16 = arith.constant 25 : i32
    %dma_wait3A = arith.constant 0 : i32
    %dma_wait3A_17 = arith.constant 0 : i32
    %dma_wait3A_18 = tpu.memref_slice %arg6[%dma_wait3A, %dma_wait3A_17] : memref<320000x128xf32, #tpu.memory_space<hbm>> -> memref<200x128xf32, #tpu.memory_space<hbm>>
    %dma_wait3A_19 = arith.constant 0 : i32
    %dma_wait3A_20 = arith.constant 0 : i32
    %dma_wait3A_21 = tpu.memref_slice %arg6[%dma_wait3A_19, %dma_wait3A_20] : memref<320000x128xf32, #tpu.memory_space<hbm>> -> memref<200x128xf32, #tpu.memory_space<hbm>>
    tpu.wait_dma2 semaphore(%arg16 : memref<!tpu.dma_semaphore, #tpu.memory_space<semaphore_mem>>) src(%arg11 : memref<200x128xf32, #tpu.memory_space<vmem>>) dst(%dma_wait3A_21 : memref<200x128xf32, #tpu.memory_space<hbm>>)
    return
  }
}

module attributes {stable_mosaic.version = 14 : i64} {
  func.func @_tables_body(%arg0: i32, %arg1: memref<1000x128xf32, #tpu.memory_space<vmem>>, %arg2: memref<256x128xf32, #tpu.memory_space<vmem>>, %arg3: memref<1x128xf32, #tpu.memory_space<vmem>>, %arg4: memref<1000x128xf32, #tpu.memory_space<vmem>>, %arg5: memref<1000x128xf32, #tpu.memory_space<vmem>>) attributes {dimension_semantics = [#tpu.dimension_semantics<arbitrary>], iteration_bounds = array<i64: 10>, scalar_prefetch = 0 : i64, scratch_operands = 0 : i64, tpu.core_type = #tpu.core_type<tc>, window_params = [{transform_indices = @transform_0, window_bounds = array<i64: 1000, 128>}, {pipeline_mode = #tpu.pipeline_mode<synchronous>, transform_indices = @transform_1, window_bounds = array<i64: 256, 128>}, {pipeline_mode = #tpu.pipeline_mode<synchronous>, transform_indices = @transform_2, window_bounds = array<i64: 1, 128>}, {transform_indices = @transform_3, window_bounds = array<i64: 1000, 128>}, {transform_indices = @transform_4, window_bounds = array<i64: 1000, 128>}]} {
    %get3A = arith.constant 0 : index
    %get3A_0 = arith.constant 0 : index
    %get3A_1 = vector.load %arg1[%get3A, %get3A_0] : memref<1000x128xf32, #tpu.memory_space<vmem>>, vector<1000x128xf32>
    %get3A_2 = arith.constant 0 : index
    %get3A_3 = arith.constant 0 : index
    %get3A_4 = vector.load %arg2[%get3A_2, %get3A_3] : memref<256x128xf32, #tpu.memory_space<vmem>>, vector<128x128xf32>
    %get3A_5 = arith.constant 128 : index
    %get3A_6 = arith.constant 0 : index
    %get3A_7 = vector.load %arg2[%get3A_5, %get3A_6] : memref<256x128xf32, #tpu.memory_space<vmem>>, vector<128x128xf32>
    %dot_general3A = arith.constant dense<0.000000e+00> : vector<1000x128xf32>
    %dot_general3A_8 = tpu.matmul %get3A_1, %get3A_4, %dot_general3A {dimension_numbers = #tpu.dot_dimension_numbers<[1], [0], [0], [1], [0, 0, 1, 1], [], []>, transpose_lhs_hint = false} : vector<1000x128xf32>, vector<128x128xf32>, vector<1000x128xf32> -> vector<1000x128xf32>
    %swap3A = arith.constant 0 : index
    %swap3A_9 = arith.constant 0 : index
    %swap3A_10 = vector.load %arg4[%swap3A, %swap3A_9] : memref<1000x128xf32, #tpu.memory_space<vmem>>, vector<1000x128xf32>
    tpu.vector_store %arg4[%swap3A, %swap3A_9], %dot_general3A_8 {strides = array<i32>} : memref<1000x128xf32, #tpu.memory_space<vmem>>, vector<1000x128xf32>,
    %dot_general3A_11 = arith.constant dense<0.000000e+00> : vector<1000x128xf32>
    %dot_general3A_12 = tpu.matmul %get3A_1, %get3A_7, %dot_general3A_11 {dimension_numbers = #tpu.dot_dimension_numbers<[1], [0], [0], [1], [0, 0, 1, 1], [], []>, transpose_lhs_hint = false} : vector<1000x128xf32>, vector<128x128xf32>, vector<1000x128xf32> -> vector<1000x128xf32>
    %get3A_13 = arith.constant 0 : index
    %get3A_14 = arith.constant 0 : index
    %get3A_15 = vector.load %arg3[%get3A_13, %get3A_14] : memref<1x128xf32, #tpu.memory_space<vmem>>, vector<1x128xf32>
    %add3A = vector.broadcast %get3A_15 : vector<1x128xf32> to vector<1000x128xf32>
    %add3A_16 = arith.addf %dot_general3A_12, %add3A : vector<1000x128xf32>
    %swap3A_17 = arith.constant 0 : index
    %swap3A_18 = arith.constant 0 : index
    %swap3A_19 = vector.load %arg5[%swap3A_17, %swap3A_18] : memref<1000x128xf32, #tpu.memory_space<vmem>>, vector<1000x128xf32>
    tpu.vector_store %arg5[%swap3A_17, %swap3A_18], %add3A_16 {strides = array<i32>} : memref<1000x128xf32, #tpu.memory_space<vmem>>, vector<1000x128xf32>,
    return
  }
  func.func @transform_0(%arg0: i32) -> (i32, i32) {
    %c0_i32 = arith.constant 0 : i32
    %c0_i32_0 = arith.constant 0 : i32
    return %arg0, %c0_i32 : i32, i32
  }
  func.func @transform_1(%arg0: i32) -> (i32, i32) {
    %c0_i32 = arith.constant 0 : i32
    %c0_i32_0 = arith.constant 0 : i32
    %c0_i32_1 = arith.constant 0 : i32
    return %c0_i32, %c0_i32_0 : i32, i32
  }
  func.func @transform_2(%arg0: i32) -> (i32, i32) {
    %c0_i32 = arith.constant 0 : i32
    %c0_i32_0 = arith.constant 0 : i32
    %c0_i32_1 = arith.constant 0 : i32
    return %c0_i32, %c0_i32_0 : i32, i32
  }
  func.func @transform_3(%arg0: i32) -> (i32, i32) {
    %c0_i32 = arith.constant 0 : i32
    %c0_i32_0 = arith.constant 0 : i32
    return %arg0, %c0_i32 : i32, i32
  }
  func.func @transform_4(%arg0: i32) -> (i32, i32) {
    %c0_i32 = arith.constant 0 : i32
    %c0_i32_0 = arith.constant 0 : i32
    return %arg0, %c0_i32 : i32, i32
  }
}

</mosaic_0001>

<sc_bundles>
// kernel: kernel.4.cloned.1.call-start
scs
__scs_entry_jumppad:
0x0: {  	(pc) =	sbr.rel $0x88, $3  }
0x1: {  	(tag) =	ssettag $0x0;
	lr =	simm.s32 $0x1  }
0x2: {  	[smem:$0x3F9D] =	sst lr;
	_ =	strace $0xD0000000  }
0x3: {  	_ = 	snop  }
0x4: {  	_ = 	snop  }
0x5: {  	_ = 	snop  }
0x6: {  	_ = 	snop  }
0x7: {  	_ = 	snop  }
__scs_overlays_trampoline_lowered:
0x8: {  	[smem:$0x3FAC] =	sst s0  }
0x9: {  	[smem:$0x3FAD] =	sst s1  }
0xa: {  	[smem:$0x3FAE] =	sst s2  }
0xb: {  	[smem:$0x3FAF] =	sst s3  }
0xc: {  	[smem:$0x3FB0] =	sst s4  }
0xd: {  	[smem:$0x3FB1] =	sst s5  }
0xe: {  	[smem:$0x3FB2] =	sst s6  }
0xf: {  	[smem:$0x3FB3] =	sst s7  }
0x10: {  	[smem:$0x3FB4] =	sst s8  }
0x11: {  	[smem:$0x3FB5] =	sst s9;
	s0 =	simm.s32 @!p0 $0x0  }
0x12: {  	s1 =	sld [smem:$0x3F9B];
	s0 =	simm.s32 @p0 $0x1  }
0x13: {  	[smem:$0x3FB6] =	sst s0;
	s0 =	simm.s32 @!p1 $0x0  }
0x14: {  	s2 =	sld [smem:$0x3F9A];
	s0 =	simm.s32 @p1 $0x1  }
0x15: {  	[smem:$0x3FB7] =	sst s0;
	s0 =	simm.s32 @!p2 $0x0  }
0x16: {  	s3 =	sld [smem:$0x3FDB];
	s0 =	simm.s32 @p2 $0x1  }
0x17: {  	s4 =	simm.s32 $0x1BF5;
	[smem:$0x3FB9] =	sst s0  }
0x18: {  	s0 =	sld [smem:$0x3F9C];
	_ =	swait.ge [sflag:s4], $0x0  }
0x19: {  	s7 =	sld [smem:$0x3F9D]  }
0x1a: {  	s8 =	sadd.s32 $0xFFFFE003, lr  }
0x1b: {  	s9 =	sadd.s32 $0xFFFFFEF7, lr;
	s5 =	simm.s32 $0xFFFFFFFF;
	p2 =	slt.u32 s8, $0xFFFFF086  }
0x1c: {  	p1 =	slt.u32 s9, $0xF7A;
	s5 =	simm.s32 @!p2 $0x0  }
0x1d: {  	s5 =	simm.s32 @p1 $0x1;
	p0 =	seq.s32 s7, s2  }
0x1e: {  	s7 =	smul.u32 @!p0 $0xF7A, s2;
	p2 =	seq.s32 @!p0 s5, $0x0  }
0x1f: {  	s9 =	smul.u32 $0xF7A, s1;
	s8 =	simm.s32 @!p0 $0x1BF5;
	p2 =	por !p2, p0  }
0x20: {  	[sflag:s8] =	ssyncset.s32 @!p0 $0xFFFFF086;
	s6 =	sadd.s32 @!p0 s3, s7;
	s7 =	simm.s32 @!p0 $0x108  }
0x21: {  	s3 =	sadd.s32 s3, s9;
	s6 =	sadd.s32 @!p0 $0x88, s6;
	s7 =	simm.s32 @p2 $0x1082  }
0x22: {  	[simem:s7], [sflag:s8] =	dma.local @!p0 [hbm:s6], $0xF7A  }
0x23: {  	s9 =	sor.u32 $0xD0000000, s2;
	s6 =	simm.s32 $0x108;
	_ =	swait.ge @!p0 [sflag:s8], $0x0  }
0x24: {  	s3 =	sadd.s32 $0x88, s3;
	s6 =	simm.s32 @!p1 $0x1082;
	[sflag:s4] =	ssyncset.s32 $0xFFFFF086  }
0x25: {  	[simem:s6], [sflag:s4] =	dma.local [hbm:s3], $0xF7A  }
0x26: {  	[smem:$0x3F9D] =	sst s1;
	(tag) =	ssettag s2;
	_ =	strace s9  }
0x27: {  	s1 =	sld [smem:$0x3FAD]  }
0x28: {  	s2 =	sld [smem:$0x3FAE]  }
0x29: {  	s4 =	sld [smem:$0x3FB0]  }
0x2a: {  	p0 =	seq.s32 s5, $0x0;
	s5 =	sld [smem:$0x3FB1]  }
0x2b: {  	s6 =	sld [smem:$0x3FB2]  }
0x2c: {  	s7 =	sld [smem:$0x3FB3]  }
0x2d: {  	s3 =	simm.s32 $0x108;
	s8 =	sld [smem:$0x3FB4]  }
0x2e: {  	s3 =	simm.s32 @!p0 $0x1082;
	s9 =	sld [smem:$0x3FB5]  }
0x2f: {  	lr =	sadd.s32 s0, s3;
	s0 =	sld [smem:$0x3FAC]  }
0x30: {  	s3 =	sld [smem:$0x3FAF]  }
0x31: {  	[smem:$0x3FB8] =	sst s10  }
0x32: {  	s10 =	sld [smem:$0x3FB6];
	_ =	sdelay $0x3  }
0x33: {  	p0 =	seq.s32 s10, $0x1;
	s10 =	sld [smem:$0x3FB8];
	_ =	sdelay $0x3  }
0x34: {  	[smem:$0x3FB8] =	sst s10  }
0x35: {  	s10 =	sld [smem:$0x3FB7];
	_ =	sdelay $0x3  }
0x36: {  	p1 =	seq.s32 s10, $0x1;
	s10 =	sld [smem:$0x3FB8];
	_ =	sdelay $0x3  }
0x37: {  	[smem:$0x3FB8] =	sst s10  }
0x38: {  	s10 =	sld [smem:$0x3FB9]  }
0x39: {  	_ = 	snop;
	(pc) =	sbr.ind lr, $3  }
0x3a: {  	_ = 	snop  }
0x3b: {  	_ = 	snop  }
0x3c: {  	p2 =	seq.s32 s10, $0x1;
	s10 =	sld [smem:$0x3FB8]  }
0x3d: {  	_ =	shalt  }
0x3e: {  	_ =	shalt  }
0x3f: {  	_ =	shalt  }
0x40: {  	_ =	shalt  }
0x41: {  	_ =	shalt  }
0x42: {  	_ =	shalt  }
0x43: {  	_ =	shalt  }
0x44: {  	_ =	shalt  }
0x45: {  	_ =	shalt  }
0x46: {  	_ =	shalt  }
0x47: {  	_ =	shalt  }
0x48: {  	_ =	shalt  }
0x49: {  	_ =	shalt  }
0x4a: {  	_ =	shalt  }
0x4b: {  	_ =	shalt  }
0x4c: {  	_ =	shalt  }
0x4d: {  	_ =	shalt  }
0x4e: {  	_ =	shalt  }
0x4f: {  	_ =	shalt  }
0x50: {  	_ =	shalt  }
0x51: {  	_ =	shalt  }
0x52: {  	_ =	shalt  }
0x53: {  	_ =	shalt  }
0x54: {  	_ =	shalt  }
0x55: {  	_ =	shalt  }
0x56: {  	_ =	shalt  }
0x57: {  	_ =	shalt  }
0x58: {  	_ =	shalt  }
0x59: {  	_ =	shalt  }
0x5a: {  	_ =	shalt  }
0x5b: {  	_ =	shalt  }
0x5c: {  	_ =	shalt  }
0x5d: {  	_ =	shalt  }
0x5e: {  	_ =	shalt  }
0x5f: {  	_ =	shalt  }
0x60: {  	_ =	shalt  }
0x61: {  	_ =	shalt  }
0x62: {  	_ =	shalt  }
0x63: {  	_ =	shalt  }
0x64: {  	_ =	shalt  }
0x65: {  	_ =	shalt  }
0x66: {  	_ =	shalt  }
0x67: {  	_ =	shalt  }
0x68: {  	_ =	shalt  }
0x69: {  	_ =	shalt  }
0x6a: {  	_ =	shalt  }
0x6b: {  	_ =	shalt  }
0x6c: {  	_ =	shalt  }
0x6d: {  	_ =	shalt  }
0x6e: {  	_ =	shalt  }
0x6f: {  	_ =	shalt  }
0x70: {  	_ =	shalt  }
0x71: {  	_ =	shalt  }
0x72: {  	_ =	shalt  }
0x73: {  	_ =	shalt  }
0x74: {  	_ =	shalt  }
0x75: {  	_ =	shalt  }
0x76: {  	_ =	shalt  }
0x77: {  	_ =	shalt  }
0x78: {  	_ =	shalt  }
0x79: {  	_ =	shalt  }
0x7a: {  	_ =	shalt  }
0x7b: {  	_ =	shalt  }
0x7c: {  	_ =	shalt  }
0x7d: {  	_ =	shalt  }
0x7e: {  	_ =	shalt  }
0x7f: {  	_ =	shalt  }
0x80: {  	_ =	shalt  }
0x81: {  	_ =	shalt  }
0x82: {  	_ =	shalt  }
0x83: {  	_ =	shalt  }
0x84: {  	_ =	shalt  }
0x85: {  	_ =	shalt  }
0x86: {  	_ =	shalt  }
0x87: {  	_ =	shalt  }
.Lfunc_end0:
.L_simem_size_0:
called_computation_lowered:
.L_overlay_start_0:
0x88: {  	s2 =	sld [smem:$0x3FD9]  }
0x89: {  	s3 =	sld [smem:$0x3FFE];
	_ =	sdelay $0x1  }
0x8a: {  	s1 =	srdreg.scid  }
0x8b: {  	s0 =	sand.u32 $0x1, s1  }
0x8c: {  	s17 =	sshll.u32 s0, $0xA;
	s2 =	sadd.s32 s3, s2  }
0x8d: {  	s2 =	sadd.s32 s2, s17  }
0x8e: {  	[smem:$0x3FC4] =	sst s2  }
0x8f: {  	_ = 	snop  }
0x90: {  	s2 =	sld [smem:$0x3FD0];
	(tm) =	ssettm $0x1  }
0x91: {  	s18 =	sld [smem:$0x3FFB];
	_ =	sdelay $0x3  }
0x92: {  	_ =	strace s18  }
0x93: {  	s3 =	sld [smem:$0x3FFC];
	_ =	sdelay $0x3  }
0x94: {  	_ =	strace s3  }
0x95: {  	s3 =	sld [smem:$0x3FFD];
	_ =	sdelay $0x3  }
0x96: {  	_ =	strace s3  }
0x97: {  	_ =	strace $0x8FFFFFFF  }
0x98: {  	s19 =	sld [smem:$0x3FDB];
	_ =	sdelay $0x1  }
0x99: {  	s4 =	simm.s32 $_scs_section_size  }
0x9a: {  	s5 =	simm.s32 $_size__tile_overlayer_lowered;
	s6 =	simm.s32 $_tile_overlayer_lowered  }
0x9b: {  	s22 =	simm.s32 $0x1BFF;
	s21 =	sshll.u32 s6, $0x1;
	s3 =	sadd.s32 s4, s19  }
0x9c: {  	s7 =	simm.s32 $0x0;
	s20 =	sshll.u32 s5, $0x1;
	s5 =	sadd.s32 s21, s3  }
0x9d: {  	[timem:s7], [sflag:s22] =	dma.local [hbm:s5], s20  }
0x9e: {  	_ =	swait.ge [sflag:s22], s20  }
0x9f: {  	s4 =	ssub.s32 $0x0, s20;
	[sflag:s22] =	ssyncset.done $0x0  }
0xa0: {  	[sflag:s22] =	ssyncadd.s32 s4;
	_ =	sdelay $0x1  }
0xa1: {  	s23 =	simm.s32 $0x1B8B  }
0xa2: {  	_ =	swait.ge [sflag:s23], $0x1  }
0xa3: {  	[sflag:s23] =	ssyncset.done $0x0  }
0xa4: {  	s25 =	simm.s32 $0x1B8E;
	s24 =	sld [smem:$0x3FFE];
	[sflag:s23] =	ssyncadd.s32 $0xFFFFFFFF  }
0xa5: {  	s26 =	simm.s32 $execute0_lowered;
	[smem:$0x3FD2] =	sst s25  }
0xa6: {  	s5 =	sshll.u32 s26, $0x1;
	_ =	strace $0x80000046;
	[dreg:$0x1] =	wrdreg $0xFFFFFFFF  }
0xa7: {  	s28 =	simm.s32 $_size_execute0_lowered;
	s3 =	sadd.s32 s3, s5;
	[dreg:$0x0] =	wrdreg $0x0  }
0xa8: {  	s5 =	sshll.u32 s28, $0x1;
	[dreg:$0x2] =	wrdreg s3  }
0xa9: {  	[dreg:$0x3] =	wrdreg s5  }
0xaa: {  	[dreg:$0x4] =	wrdreg $0xC0  }
0xab: {  	_ =	task [dreg:s7], $0x5FFFF  }
0xac: {  	[dreg:$0x1] =	wrdreg $0xFFFFFFFF  }
0xad: {  	[dreg:$0x0] =	wrdreg $0x60  }
0xae: {  	[dreg:$0x2] =	wrdreg s24  }
0xaf: {  	[dreg:$0x3] =	wrdreg s2  }
0xb0: {  	[dreg:$0x4] =	wrdreg $0x9  }
0xb1: {  	_ =	task.clear_ibuf [dreg:s7], $0x5FFFF;
	_ =	strace $0x90000046  }
0xb2: {  	s29 =	simm.s32 $0x9;
	_ =	strace $0x80000048  }
0xb3: {  	_ =	swait.ge [sflag:s29], $0x1  }
0xb4: {  	[sflag:s29] =	ssyncadd.s32 $0xFFFFFFFF  }
0xb5: {  	_ =	strace $0x90000048  }
0xb6: {  	_ =	sfence  }
0xb7: {  	s30 =	sld [smem:$0x0];
	_ =	sdelay $0x2  }
0xb8: {  	s31 =	sshll.u32 s1, $0xD;
	s1 =	sshrl.u32 s1, $0x2  }
0xb9: {  	s3 =	sand.u32 $0x4000, s31;
	s1 =	sadd.s32 s1, s30  }
0xba: {  	s0 =	sor.u32 s3, s0;
	s1 =	sshll.u32 s1, $0x11  }
0xbb: {  	s0 =	sor.u32 s1, s0  }
0xbc: {  	s0 =	sadd.s32 $0x8F2B, s0  }
0xbd: {  	[sflag:s0] =	ssyncadd.remote.s32 $0x1  }
0xbe: {  	_ =	sfence.sel $0xFFFF  }
0xbf: {  	[dreg:$0x0] =	wrdreg $0xFFFFFFFF;
	(pc) =	sbr.abs _section_cstart, $3  }
0xc0: {  	[dreg:$0x1] =	wrdreg $0xFFFFFFFF  }
0xc1: {  	_ =	task.clear_ibuf [dreg:s7], $0x2FFFF;
	_ =	strace $0x9FFFFFFF  }
0xc2: {  	(tm) =	ssettm $0x7FFFFFFF  }
0xc3: {  	_ =	shalt  }
tec
execute0_lowered:
.L_overlay_start_1:
0x0: {  	(tag) =	ssettag $0x1  }
0x1: {  	s7 =	rddreg [dreg:$0x0];
	s1 =	srdreg.scid  }
0x2: {  	s0 =	stileid.u32;
	s2 =	rddreg [dreg:$0x1]  }
0x3: {  	s3 =	simm.s32 $0x0;
	s11 =	simm.s32 $0x2780;
	s12 =	simm.s32 $0xC8  }
0x4: {  	s13 =	simm.s32 $0x4F00;
	s14 =	simm.s32 $0xB300;
	s15 =	simm.s32 $0x11700  }
0x5: {  	s16 =	simm.s32 $0x17B00;
	s5 =	sand.u32 $0x1, s1;
	s4 =	sshll.u32 s0, $0x1  }
0x6: {  	s17 =	simm.s32 $0x1;
	s18 =	simm.s32 $0x3;
	s4 =	sor.u32 s5, s4  }
0x7: {  	s19 =	simm.s32 $0x2;
	s1 =	rddreg [dreg:$0x2];
	s4 =	smul.u32 $0x2710, s4  }
0x8: {  	s20 =	simm.s32 $0x4;
	s21 =	simm.s32 $0x0;
	[smem:$0x7FF] =	sst s3  }
0x9: {  	s6 =	sadd.s32 $0x3B400, s7;
	s8 =	ssub.s32 $0x2, s5;
	s9 =	sshrl.u32 s4, $0x3  }
0xa: {  	_ =	strace $0x80000047;
	s10 =	sshrl.u32 s8, $0x1;
	s9 =	sadd.s32 s9, s7  }
0xb: {  	s5 =	sadd.s32 $0x14200, s7;
	s10 =	ssub.s32 s8, s10;
	s7 =	sadd.s32 $0xA400, s9  }
0xc: {  	s8 =	sadd.s32 $0x600, s9;
	s9 =	smax.u32 s10, $0x1;
	s10 =	simm.s32 $0x5  }
.LBB2_1:
0xd: {  	[tilespmem:s3], [sflag:$0x5] =	stream.linear.gather [hbm4b:s7+s3], $0x2710, $0x38;
	[tilespmem:$0x1DF00] =	vst v63  }
0xe: {  	_ =	swait.ge [sflag:s10], $0x2710  }
0xf: {  	[sflag:s10] =	ssyncset.done $0x0  }
0x10: {  	[sflag:s10] =	ssyncadd.s32 $0xFFFFD8F0  }
0x11: {  	[tilespmem:s11], [sflag:$0x5] =	stream.linear.gather [hbm4b:s8+s3], $0x2710, $0x38;
	[tilespmem:$0x1DF00] =	vst v63  }
0x12: {  	_ =	swait.ge [sflag:s10], $0x2710  }
0x13: {  	[sflag:s10] =	ssyncset.done $0x0  }
0x14: {  	[sflag:s10] =	ssyncadd.s32 $0xFFFFD8F0  }
0x15: {  	[tilespmem:s13], [sflag:$0x1] =	stream.indirect.gather [hbm4b:s5+s12], $0x80, s3, s12, $0xb8;
	[tilespmem:$0x1DF00] =	vst v63  }
0x16: {  	s22 =	simm.s32 $0x0  }
0x17: {  	[tilespmem:s14], [sflag:$0x1] =	stream.indirect.gather [hbm4b:s6+s12], $0x80, s11, s12, $0xb8;
	[tilespmem:$0x1DF00] =	vst v63  }
.LBB2_2:
0x18: {  	p0 =	seq.s32 s22, $0x0  }
0x19: {  	s24 =	simm.s32 @!p0 $0x4  }
0x1a: {  	s23 =	smul.u32 $0x190, s22;
	_ =	swait.ge @!p0 [sflag:s24], $0x6400  }
0x1b: {  	[sflag:s24] =	ssyncset.done @!p0 $0x0  }
0x1c: {  	s30 =	sadd.s32 $0xC8, s23;
	[sflag:s24] =	ssyncadd.s32 @!p0 $0xFFFF9C00  }
0x1d: {  	[tilespmem:s15], [sflag:$0x2] =	stream.indirect.gather [hbm4b:s5+s12], $0x80, s30, s12, $0xb8;
	[tilespmem:$0x1DF00] =	vst v63  }
0x1e: {  	s31 =	sadd.s32 $0x2848, s23  }
0x1f: {  	[tilespmem:s16], [sflag:$0x2] =	stream.indirect.gather [hbm4b:s6+s12], $0x80, s31, s12, $0xb8;
	[tilespmem:$0x1DF00] =	vst v63  }
0x20: {  	_ =	swait.ge [sflag:s17], $0x6400  }
0x21: {  	[sflag:s17] =	ssyncset.done $0x0  }
0x22: {  	[sflag:s17] =	ssyncadd.s32 $0xFFFF9C00  }
0x23: {  	_ =	swait.ge [sflag:s17], $0x6400  }
0x24: {  	[sflag:s17] =	ssyncset.done $0x0  }
0x25: {  	s24 =	simm.s32 $0x0;
	[sflag:s17] =	ssyncadd.s32 $0xFFFF9C00  }
0x26: {  	v6 =	vld [tilespmem:s24+$0xB300]  }
0x27: {  	v7 =	vld [tilespmem:s24+$0xB310]  }
0x28: {  	v8 =	vld [tilespmem:s24+$0xB320]  }
0x29: {  	v9 =	vld [tilespmem:s24+$0xB330]  }
0x2a: {  	v10 =	vld [tilespmem:s24+$0xB340]  }
0x2b: {  	v11 =	vld [tilespmem:s24+$0xB350]  }
0x2c: {  	v12 =	vld [tilespmem:s24+$0xB360]  }
0x2d: {  	v13 =	vld [tilespmem:s24+$0xB370]  }
0x2e: {  	v14 =	vld [tilespmem:s24+$0xB380]  }
0x2f: {  	v15 =	vld [tilespmem:s24+$0xB390]  }
0x30: {  	v16 =	vld [tilespmem:s24+$0xB3A0]  }
0x31: {  	v17 =	vld [tilespmem:s24+$0xB3B0]  }
0x32: {  	v18 =	vld [tilespmem:s24+$0xB3C0]  }
0x33: {  	v19 =	vld [tilespmem:s24+$0xB3D0]  }
0x34: {  	v20 =	vld [tilespmem:s24+$0xB3E0]  }
0x35: {  	v21 =	vld [tilespmem:s24+$0xB3F0]  }
0x36: {  	v22 =	vld [tilespmem:s24+$0xB400]  }
0x37: {  	v23 =	vld [tilespmem:s24+$0xB410]  }
0x38: {  	v24 =	vld [tilespmem:s24+$0xB420]  }
0x39: {  	v25 =	vld [tilespmem:s24+$0xB430]  }
0x3a: {  	v26 =	vld [tilespmem:s24+$0xB440]  }
0x3b: {  	v32 =	vld [tilespmem:s24+$0x4F00]  }
0x3c: {  	v27 =	vld [tilespmem:s24+$0xB450]  }
0x3d: {  	v33 =	vld [tilespmem:s24+$0x4F10]  }
0x3e: {  	v34 =	vld [tilespmem:s24+$0x4F20]  }
0x3f: {  	v28 =	vld [tilespmem:s24+$0xB460]  }
0x40: {  	v35 =	vld [tilespmem:s24+$0x4F30];
	v6 =	vadd.f32 v6, v32  }
0x41: {  	v36 =	vld [tilespmem:s24+$0x4F40]  }
0x42: {  	v29 =	vld [tilespmem:s24+$0xB470];
	v7 =	vadd.f32 v7, v33;
	v6 =	vmax.f32 v6, $0.0e+00  }
0x43: {  	v62 =	vld [tilespmem:s24+$0x4F50];
	[tilespmem:s24+$0x4F00] =	vst v6;
	v6 =	vadd.f32 v8, v34  }
0x44: {  	v37 =	vld [tilespmem:s24+$0x4F60];
	v7 =	vmax.f32 v7, $0.0e+00  }
0x45: {  	v30 =	vld [tilespmem:s24+$0xB480];
	[tilespmem:s24+$0x4F10] =	vst v7;
	v7 =	vadd.f32 v9, v35;
	v6 =	vmax.f32 v6, $0.0e+00  }
0x46: {  	v63 =	vld [tilespmem:s24+$0x4F70];
	[tilespmem:s24+$0x4F20] =	vst v6;
	v6 =	vadd.f32 v10, v36  }
0x47: {  	v8 =	vld [tilespmem:s24+$0x4F80];
	v7 =	vmax.f32 v7, $0.0e+00  }
0x48: {  	v31 =	vld [tilespmem:s24+$0xB490];
	[tilespmem:s24+$0x4F30] =	vst v7;
	v7 =	vadd.f32 v11, v62;
	v6 =	vmax.f32 v6, $0.0e+00  }
0x49: {  	v9 =	vld [tilespmem:s24+$0x4F90];
	[tilespmem:s24+$0x4F40] =	vst v6;
	v6 =	vadd.f32 v12, v37  }
0x4a: {  	v10 =	vld [tilespmem:s24+$0x4FA0];
	v7 =	vmax.f32 v7, $0.0e+00  }
0x4b: {  	v5 =	vld [tilespmem:s24+$0xB4A0];
	[tilespmem:s24+$0x4F50] =	vst v7;
	v7 =	vadd.f32 v13, v63;
	v6 =	vmax.f32 v6, $0.0e+00  }
0x4c: {  	v11 =	vld [tilespmem:s24+$0x4FB0];
	[tilespmem:s24+$0x4F60] =	vst v6;
	v6 =	vadd.f32 v14, v8  }
0x4d: {  	v12 =	vld [tilespmem:s24+$0x4FC0];
	v7 =	vmax.f32 v7, $0.0e+00  }
0x4e: {  	v4 =	vld [tilespmem:s24+$0xB4B0];
	[tilespmem:s24+$0x4F70] =	vst v7;
	v7 =	vadd.f32 v15, v9;
	v6 =	vmax.f32 v6, $0.0e+00  }
0x4f: {  	v13 =	vld [tilespmem:s24+$0x4FD0];
	[tilespmem:s24+$0x4F80] =	vst v6;
	v6 =	vadd.f32 v16, v10  }
0x50: {  	v8 =	vld [tilespmem:s24+$0x4FE0];
	v7 =	vmax.f32 v7, $0.0e+00  }
0x51: {  	v3 =	vld [tilespmem:s24+$0xB4C0];
	[tilespmem:s24+$0x4F90] =	vst v7;
	v7 =	vadd.f32 v17, v11;
	v6 =	vmax.f32 v6, $0.0e+00  }
0x52: {  	v9 =	vld [tilespmem:s24+$0x4FF0];
	[tilespmem:s24+$0x4FA0] =	vst v6;
	v6 =	vadd.f32 v18, v12  }
0x53: {  	v10 =	vld [tilespmem:s24+$0x5000];
	v7 =	vmax.f32 v7, $0.0e+00  }
0x54: {  	v2 =	vld [tilespmem:s24+$0xB4D0];
	[tilespmem:s24+$0x4FB0] =	vst v7;
	v7 =	vadd.f32 v19, v13;
	v6 =	vmax.f32 v6, $0.0e+00  }
0x55: {  	v11 =	vld [tilespmem:s24+$0x5010];
	[tilespmem:s24+$0x4FC0] =	vst v6;
	v6 =	vadd.f32 v20, v8  }
0x56: {  	v12 =	vld [tilespmem:s24+$0x5020];
	v7 =	vmax.f32 v7, $0.0e+00  }
0x57: {  	v1 =	vld [tilespmem:s24+$0xB4E0];
	[tilespmem:s24+$0x4FD0] =	vst v7;
	v7 =	vadd.f32 v21, v9;
	v6 =	vmax.f32 v6, $0.0e+00  }
0x58: {  	v13 =	vld [tilespmem:s24+$0x5030];
	[tilespmem:s24+$0x4FE0] =	vst v6;
	v6 =	vadd.f32 v22, v10  }
0x59: {  	v8 =	vld [tilespmem:s24+$0x5040];
	v7 =	vmax.f32 v7, $0.0e+00  }
0x5a: {  	v0 =	vld [tilespmem:s24+$0xB4F0];
	[tilespmem:s24+$0x4FF0] =	vst v7;
	v7 =	vadd.f32 v23, v11;
	v6 =	vmax.f32 v6, $0.0e+00  }
0x5b: {  	v9 =	vld [tilespmem:s24+$0x5050];
	[tilespmem:s24+$0x5000] =	vst v6;
	v6 =	vadd.f32 v24, v12  }
0x5c: {  	v14 =	vld [tilespmem:s24+$0x5060];
	v7 =	vmax.f32 v7, $0.0e+00  }
0x5d: {  	v11 =	vld [tilespmem:s24+$0x5070];
	[tilespmem:s24+$0x5010] =	vst v7;
	v7 =	vadd.f32 v25, v13;
	v6 =	vmax.f32 v6, $0.0e+00  }
0x5e: {  	v12 =	vld [tilespmem:s24+$0x5080];
	[tilespmem:s24+$0x5020] =	vst v6;
	v6 =	vadd.f32 v26, v8  }
0x5f: {  	v15 =	vld [tilespmem:s24+$0x5090];
	v7 =	vmax.f32 v7, $0.0e+00  }
0x60: {  	v10 =	vld [tilespmem:s24+$0x50A0];
	[tilespmem:s24+$0x5030] =	vst v7;
	v7 =	vadd.f32 v27, v9;
	v6 =	vmax.f32 v6, $0.0e+00  }
0x61: {  	v9 =	vld [tilespmem:s24+$0x50B0];
	[tilespmem:s24+$0x5040] =	vst v6;
	v6 =	vadd.f32 v28, v14  }
0x62: {  	v11 =	vadd.f32 v29, v11;
	v8 =	vld [tilespmem:s24+$0x50C0];
	v7 =	vmax.f32 v7, $0.0e+00  }
0x63: {  	v12 =	vadd.f32 v30, v12;
	[tilespmem:s24+$0x5050] =	vst v7;
	v7 =	vld [tilespmem:s24+$0x50D0];
	v6 =	vmax.f32 v6, $0.0e+00  }
0x64: {  	s25 =	sshll.u32 s22, $0x1;
	s26 =	simm.s32 $0x800;
	v13 =	vmax.f32 v11, $0.0e+00;
	v11 =	vadd.f32 v31, v15;
	[tilespmem:s24+$0x5060] =	vst v6;
	v6 =	vld [tilespmem:s24+$0x50E0]  }
.LBB2_3:
0x65: {  	s28 =	sshra.s32 s26, $0x2;
	p0 =	sne.s32 s26, $0x18800;
	[tilespmem:s24+$0x5070] =	vst v13;
	v12 =	vmax.f32 v12, $0.0e+00;
	v5 =	vadd.f32 v5, v10;
	v10 =	vld [tilespmem:s24+$0x50F0]  }
0x66: {  	v13 =	vld [tilespmem:s28+$0xB300];
	[tilespmem:s24+$0x5080] =	vst v12;
	v11 =	vmax.f32 v11, $0.0e+00;
	v4 =	vadd.f32 v4, v9  }
0x67: {  	v12 =	vld [tilespmem:s28+$0xB310];
	[tilespmem:s24+$0x5090] =	vst v11;
	v5 =	vmax.f32 v5, $0.0e+00;
	v3 =	vadd.f32 v3, v8  }
0x68: {  	v14 =	vld [tilespmem:s28+$0xB320];
	[tilespmem:s24+$0x50A0] =	vst v5;
	v4 =	vmax.f32 v4, $0.0e+00;
	v2 =	vadd.f32 v2, v7  }
0x69: {  	v15 =	vld [tilespmem:s28+$0xB330];
	[tilespmem:s24+$0x50B0] =	vst v4;
	v3 =	vmax.f32 v3, $0.0e+00;
	v1 =	vadd.f32 v1, v6  }
0x6a: {  	v16 =	vld [tilespmem:s28+$0xB340];
	[tilespmem:s24+$0x50C0] =	vst v3;
	v2 =	vmax.f32 v2, $0.0e+00;
	v0 =	vadd.f32 v0, v10  }
0x6b: {  	v17 =	vld [tilespmem:s28+$0xB350];
	[tilespmem:s24+$0x50D0] =	vst v2;
	v1 =	vmax.f32 v1, $0.0e+00  }
0x6c: {  	v18 =	vld [tilespmem:s28+$0xB360];
	[tilespmem:s24+$0x50E0] =	vst v1;
	v0 =	vmax.f32 v0, $0.0e+00  }
0x6d: {  	v19 =	vld [tilespmem:s28+$0xB370];
	[tilespmem:s24+$0x50F0] =	vst v0;
	s24 =	smov.u32 s28  }
0x6e: {  	v20 =	vld [tilespmem:s24+$0xB380]  }
0x6f: {  	v21 =	vld [tilespmem:s24+$0xB390]  }
0x70: {  	v22 =	vld [tilespmem:s24+$0xB3A0]  }
0x71: {  	v23 =	vld [tilespmem:s24+$0xB3B0]  }
0x72: {  	v24 =	vld [tilespmem:s24+$0xB3C0]  }
0x73: {  	v25 =	vld [tilespmem:s24+$0xB3D0]  }
0x74: {  	v26 =	vld [tilespmem:s24+$0xB3E0]  }
0x75: {  	v27 =	vld [tilespmem:s24+$0xB3F0]  }
0x76: {  	v28 =	vld [tilespmem:s24+$0xB400]  }
0x77: {  	v29 =	vld [tilespmem:s24+$0xB410]  }
0x78: {  	v30 =	vld [tilespmem:s24+$0xB420]  }
0x79: {  	v31 =	vld [tilespmem:s24+$0xB430]  }
0x7a: {  	v11 =	vld [tilespmem:s24+$0xB440]  }
0x7b: {  	v10 =	vld [tilespmem:s24+$0xB450]  }
0x7c: {  	v9 =	vld [tilespmem:s24+$0xB460]  }
0x7d: {  	v8 =	vld [tilespmem:s24+$0xB470]  }
0x7e: {  	v7 =	vld [tilespmem:s24+$0xB480]  }
0x7f: {  	v6 =	vld [tilespmem:s24+$0xB490]  }
0x80: {  	v5 =	vld [tilespmem:s24+$0xB4A0]  }
0x81: {  	v4 =	vld [tilespmem:s24+$0xB4B0]  }
0x82: {  	v3 =	vld [tilespmem:s24+$0xB4C0]  }
0x83: {  	v2 =	vld [tilespmem:s24+$0xB4D0]  }
0x84: {  	v1 =	vld [tilespmem:s24+$0xB4E0]  }
0x85: {  	v0 =	vld [tilespmem:s24+$0xB4F0]  }
0x86: {  	v32 =	vld [tilespmem:s24+$0x4F00]  }
0x87: {  	v33 =	vld [tilespmem:s24+$0x4F10]  }
0x88: {  	v34 =	vld [tilespmem:s24+$0x4F20]  }
0x89: {  	v35 =	vld [tilespmem:s24+$0x4F30]  }
0x8a: {  	v36 =	vld [tilespmem:s24+$0x4F40]  }
0x8b: {  	v13 =	vadd.f32 v13, v32;
	v32 =	vld [tilespmem:s24+$0x4F50]  }
0x8c: {  	v12 =	vadd.f32 v12, v33;
	v33 =	vld [tilespmem:s24+$0x4F60]  }
0x8d: {  	v13 =	vmax.f32 v13, $0.0e+00;
	v14 =	vadd.f32 v14, v34;
	v34 =	vld [tilespmem:s24+$0x4F70]  }
0x8e: {  	[tilespmem:s24+$0x4F00] =	vst v13;
	v12 =	vmax.f32 v12, $0.0e+00;
	v13 =	vadd.f32 v15, v35;
	v15 =	vld [tilespmem:s24+$0x4F80]  }
0x8f: {  	[tilespmem:s24+$0x4F10] =	vst v12;
	v12 =	vmax.f32 v14, $0.0e+00;
	v14 =	vadd.f32 v16, v36;
	v16 =	vld [tilespmem:s24+$0x4F90]  }
0x90: {  	[tilespmem:s24+$0x4F20] =	vst v12;
	v12 =	vmax.f32 v13, $0.0e+00;
	v13 =	vadd.f32 v17, v32;
	v17 =	vld [tilespmem:s24+$0x4FA0]  }
0x91: {  	[tilespmem:s24+$0x4F30] =	vst v12;
	v12 =	vmax.f32 v14, $0.0e+00;
	v14 =	vadd.f32 v18, v33;
	v18 =	vld [tilespmem:s24+$0x4FB0]  }
0x92: {  	[tilespmem:s24+$0x4F40] =	vst v12;
	v12 =	vmax.f32 v13, $0.0e+00;
	v13 =	vadd.f32 v19, v34;
	v19 =	vld [tilespmem:s24+$0x4FC0]  }
0x93: {  	[tilespmem:s24+$0x4F50] =	vst v12;
	v12 =	vmax.f32 v14, $0.0e+00;
	v14 =	vadd.f32 v20, v15;
	v15 =	vld [tilespmem:s24+$0x4FD0]  }
0x94: {  	[tilespmem:s24+$0x4F60] =	vst v12;
	v12 =	vmax.f32 v13, $0.0e+00;
	v13 =	vadd.f32 v21, v16;
	v16 =	vld [tilespmem:s24+$0x4FE0]  }
0x95: {  	[tilespmem:s24+$0x4F70] =	vst v12;
	v12 =	vmax.f32 v14, $0.0e+00;
	v14 =	vadd.f32 v22, v17;
	v17 =	vld [tilespmem:s24+$0x4FF0]  }
0x96: {  	[tilespmem:s24+$0x4F80] =	vst v12;
	v12 =	vmax.f32 v13, $0.0e+00;
	v13 =	vadd.f32 v23, v18;
	v18 =	vld [tilespmem:s24+$0x5000]  }
0x97: {  	[tilespmem:s24+$0x4F90] =	vst v12;
	v12 =	vmax.f32 v14, $0.0e+00;
	v14 =	vadd.f32 v24, v19;
	v19 =	vld [tilespmem:s24+$0x5010]  }
0x98: {  	[tilespmem:s24+$0x4FA0] =	vst v12;
	v12 =	vmax.f32 v13, $0.0e+00;
	v13 =	vadd.f32 v25, v15;
	v15 =	vld [tilespmem:s24+$0x5020]  }
0x99: {  	[tilespmem:s24+$0x4FB0] =	vst v12;
	v12 =	vmax.f32 v14, $0.0e+00;
	v14 =	vadd.f32 v26, v16;
	v16 =	vld [tilespmem:s24+$0x5030]  }
0x9a: {  	[tilespmem:s24+$0x4FC0] =	vst v12;
	v12 =	vmax.f32 v13, $0.0e+00;
	v13 =	vadd.f32 v27, v17;
	v17 =	vld [tilespmem:s24+$0x5040]  }
0x9b: {  	[tilespmem:s24+$0x4FD0] =	vst v12;
	v12 =	vmax.f32 v14, $0.0e+00;
	v14 =	vadd.f32 v28, v18;
	v18 =	vld [tilespmem:s24+$0x5050]  }
0x9c: {  	[tilespmem:s24+$0x4FE0] =	vst v12;
	v12 =	vmax.f32 v13, $0.0e+00;
	v13 =	vadd.f32 v29, v19;
	v19 =	vld [tilespmem:s24+$0x5060]  }
0x9d: {  	[tilespmem:s24+$0x4FF0] =	vst v12;
	v12 =	vmax.f32 v14, $0.0e+00;
	v14 =	vadd.f32 v30, v15;
	v15 =	vld [tilespmem:s24+$0x5070]  }
0x9e: {  	[tilespmem:s24+$0x5000] =	vst v12;
	v12 =	vmax.f32 v13, $0.0e+00;
	v13 =	vadd.f32 v31, v16;
	v16 =	vld [tilespmem:s24+$0x5080]  }
0x9f: {  	[tilespmem:s24+$0x5010] =	vst v12;
	v12 =	vmax.f32 v14, $0.0e+00;
	v11 =	vadd.f32 v11, v17;
	v14 =	vld [tilespmem:s24+$0x5090]  }
.Ltmp0:
0xa0: {  	[tilespmem:s24+$0x5020] =	vst v12;
	v12 =	vmax.f32 v13, $0.0e+00;
	v13 =	vadd.f32 v10, v18;
	v10 =	vld [tilespmem:s24+$0x50A0];
	(pc) =	sbr.rel @p0 .LBB2_3-.Ltmp0, $4  }
0xa1: {  	[tilespmem:s24+$0x5030] =	vst v12;
	v11 =	vmax.f32 v11, $0.0e+00;
	v12 =	vadd.f32 v9, v19;
	v9 =	vld [tilespmem:s24+$0x50B0]  }
0xa2: {  	[tilespmem:s24+$0x5040] =	vst v11;
	v11 =	vmax.f32 v13, $0.0e+00;
	v13 =	vadd.f32 v8, v15;
	v8 =	vld [tilespmem:s24+$0x50C0]  }
0xa3: {  	[tilespmem:s24+$0x5050] =	vst v11;
	v11 =	vmax.f32 v12, $0.0e+00;
	v12 =	vadd.f32 v7, v16;
	v7 =	vld [tilespmem:s24+$0x50D0]  }
0xa4: {  	s26 =	sadd.s32 $0x800, s26;
	[tilespmem:s24+$0x5060] =	vst v11;
	v13 =	vmax.f32 v13, $0.0e+00;
	v11 =	vadd.f32 v6, v14;
	v6 =	vld [tilespmem:s24+$0x50E0]  }
0xa5: {  	[tilespmem:s24+$0x5070] =	vst v13;
	v12 =	vmax.f32 v12, $0.0e+00;
	v5 =	vadd.f32 v5, v10;
	v10 =	vld [tilespmem:s24+$0x50F0]  }
0xa6: {  	[tilespmem:s24+$0x5080] =	vst v12;
	v11 =	vmax.f32 v11, $0.0e+00;
	v4 =	vadd.f32 v4, v9  }
0xa7: {  	[tilespmem:s24+$0x5090] =	vst v11;
	v5 =	vmax.f32 v5, $0.0e+00;
	v3 =	vadd.f32 v3, v8  }
0xa8: {  	[tilespmem:s24+$0x50A0] =	vst v5;
	v4 =	vmax.f32 v4, $0.0e+00;
	v2 =	vadd.f32 v2, v7  }
0xa9: {  	[tilespmem:s24+$0x50B0] =	vst v4;
	v3 =	vmax.f32 v3, $0.0e+00;
	v1 =	vadd.f32 v1, v6  }
0xaa: {  	[tilespmem:s24+$0x50C0] =	vst v3;
	v2 =	vmax.f32 v2, $0.0e+00;
	v0 =	vadd.f32 v0, v10  }
0xab: {  	s26 =	sadd.s32 s4, s23;
	[tilespmem:s24+$0x50D0] =	vst v2;
	v1 =	vmax.f32 v1, $0.0e+00  }
0xac: {  	s26 =	sshll.u32 s26, $0x4;
	[tilespmem:s24+$0x50E0] =	vst v1;
	v0 =	vmax.f32 v0, $0.0e+00  }
0xad: {  	s31 =	sadd.s32 s2, s26;
	[tilespmem:s24+$0x50F0] =	vst v0;
	s24 =	sor.u32 $0x1, s25  }
0xae: {  	[hbm4b:s31+s3] =	stream.linear.scatter [tilespmem:s13], [sflag:$0x3], $0x6400, $0x38;
	[tilespmem:$0x1DF00] =	vst v63  }
0xaf: {  	p0 =	sgt.u32 s24, $0x30;
	_ =	swait.ge [sflag:s18], $0x6400  }
0xb0: {  	s25 =	sadd.s32 @!p0 $0x190, s23;
	[sflag:s18] =	ssyncset.done $0x0  }
0xb1: {  	s26 =	simm.s32 @!p0 $0xC8;
	s28 =	simm.s32 @!p0 $0x4F00;
	[sflag:s18] =	ssyncadd.s32 $0xFFFF9C00  }
0xb2: {  	[tilespmem:s28], [sflag:$0x1] =	stream.indirect.gather @!p0 [hbm4b:s5+s26], $0x80, s25, s26, $0xb8;
	[tilespmem:$0x1DF00] =	vst v63  }
0xb3: {  	s23 =	sadd.s32 @!p0 $0x2910, s23;
	s25 =	simm.s32 @!p0 $0xB300  }
0xb4: {  	[tilespmem:s25], [sflag:$0x1] =	stream.indirect.gather @!p0 [hbm4b:s6+s26], $0x80, s23, s26, $0xb8;
	[tilespmem:$0x1DF00] =	vst v63  }
0xb5: {  	_ =	swait.ge [sflag:s19], $0x6400  }
0xb6: {  	[sflag:s19] =	ssyncset.done $0x0  }
0xb7: {  	[sflag:s19] =	ssyncadd.s32 $0xFFFF9C00  }
0xb8: {  	_ =	swait.ge [sflag:s19], $0x6400  }
0xb9: {  	[sflag:s19] =	ssyncset.done $0x0  }
0xba: {  	s23 =	simm.s32 $0x0;
	[sflag:s19] =	ssyncadd.s32 $0xFFFF9C00  }
0xbb: {  	v6 =	vld [tilespmem:s23+$0x17B00]  }
0xbc: {  	v7 =	vld [tilespmem:s23+$0x17B10]  }
0xbd: {  	v8 =	vld [tilespmem:s23+$0x17B20]  }
0xbe: {  	v9 =	vld [tilespmem:s23+$0x17B30]  }
0xbf: {  	v10 =	vld [tilespmem:s23+$0x17B40]  }
0xc0: {  	v11 =	vld [tilespmem:s23+$0x17B50]  }
0xc1: {  	v12 =	vld [tilespmem:s23+$0x17B60]  }
0xc2: {  	v13 =	vld [tilespmem:s23+$0x17B70]  }
0xc3: {  	v14 =	vld [tilespmem:s23+$0x17B80]  }
0xc4: {  	v15 =	vld [tilespmem:s23+$0x17B90]  }
0xc5: {  	v16 =	vld [tilespmem:s23+$0x17BA0]  }
0xc6: {  	v17 =	vld [tilespmem:s23+$0x17BB0]  }
0xc7: {  	v18 =	vld [tilespmem:s23+$0x17BC0]  }
0xc8: {  	v19 =	vld [tilespmem:s23+$0x17BD0]  }
0xc9: {  	v20 =	vld [tilespmem:s23+$0x17BE0]  }
0xca: {  	v21 =	vld [tilespmem:s23+$0x17BF0]  }
0xcb: {  	v22 =	vld [tilespmem:s23+$0x17C00]  }
0xcc: {  	v23 =	vld [tilespmem:s23+$0x17C10]  }
0xcd: {  	v24 =	vld [tilespmem:s23+$0x17C20]  }
0xce: {  	v25 =	vld [tilespmem:s23+$0x17C30]  }
0xcf: {  	v26 =	vld [tilespmem:s23+$0x17C40]  }
0xd0: {  	v32 =	vld [tilespmem:s23+$0x11700]  }
0xd1: {  	v27 =	vld [tilespmem:s23+$0x17C50]  }
0xd2: {  	v33 =	vld [tilespmem:s23+$0x11710]  }
0xd3: {  	v34 =	vld [tilespmem:s23+$0x11720]  }
0xd4: {  	v28 =	vld [tilespmem:s23+$0x17C60]  }
0xd5: {  	v35 =	vld [tilespmem:s23+$0x11730];
	v6 =	vadd.f32 v6, v32  }
0xd6: {  	v36 =	vld [tilespmem:s23+$0x11740]  }
0xd7: {  	v29 =	vld [tilespmem:s23+$0x17C70];
	v7 =	vadd.f32 v7, v33;
	v6 =	vmax.f32 v6, $0.0e+00  }
0xd8: {  	v62 =	vld [tilespmem:s23+$0x11750];
	[tilespmem:s23+$0x11700] =	vst v6;
	v6 =	vadd.f32 v8, v34  }
0xd9: {  	v37 =	vld [tilespmem:s23+$0x11760];
	v7 =	vmax.f32 v7, $0.0e+00  }
0xda: {  	v30 =	vld [tilespmem:s23+$0x17C80];
	[tilespmem:s23+$0x11710] =	vst v7;
	v7 =	vadd.f32 v9, v35;
	v6 =	vmax.f32 v6, $0.0e+00  }
0xdb: {  	v63 =	vld [tilespmem:s23+$0x11770];
	[tilespmem:s23+$0x11720] =	vst v6;
	v6 =	vadd.f32 v10, v36  }
0xdc: {  	v8 =	vld [tilespmem:s23+$0x11780];
	v7 =	vmax.f32 v7, $0.0e+00  }
0xdd: {  	v31 =	vld [tilespmem:s23+$0x17C90];
	[tilespmem:s23+$0x11730] =	vst v7;
	v7 =	vadd.f32 v11, v62;
	v6 =	vmax.f32 v6, $0.0e+00  }
0xde: {  	v9 =	vld [tilespmem:s23+$0x11790];
	[tilespmem:s23+$0x11740] =	vst v6;
	v6 =	vadd.f32 v12, v37  }
0xdf: {  	v10 =	vld [tilespmem:s23+$0x117A0];
	v7 =	vmax.f32 v7, $0.0e+00  }
0xe0: {  	v5 =	vld [tilespmem:s23+$0x17CA0];
	[tilespmem:s23+$0x11750] =	vst v7;
	v7 =	vadd.f32 v13, v63;
	v6 =	vmax.f32 v6, $0.0e+00  }
0xe1: {  	v11 =	vld [tilespmem:s23+$0x117B0];
	[tilespmem:s23+$0x11760] =	vst v6;
	v6 =	vadd.f32 v14, v8  }
0xe2: {  	v12 =	vld [tilespmem:s23+$0x117C0];
	v7 =	vmax.f32 v7, $0.0e+00  }
0xe3: {  	v4 =	vld [tilespmem:s23+$0x17CB0];
	[tilespmem:s23+$0x11770] =	vst v7;
	v7 =	vadd.f32 v15, v9;
	v6 =	vmax.f32 v6, $0.0e+00  }
0xe4: {  	v13 =	vld [tilespmem:s23+$0x117D0];
	[tilespmem:s23+$0x11780] =	vst v6;
	v6 =	vadd.f32 v16, v10  }
0xe5: {  	v8 =	vld [tilespmem:s23+$0x117E0];
	v7 =	vmax.f32 v7, $0.0e+00  }
0xe6: {  	v3 =	vld [tilespmem:s23+$0x17CC0];
	[tilespmem:s23+$0x11790] =	vst v7;
	v7 =	vadd.f32 v17, v11;
	v6 =	vmax.f32 v6, $0.0e+00  }
0xe7: {  	v9 =	vld [tilespmem:s23+$0x117F0];
	[tilespmem:s23+$0x117A0] =	vst v6;
	v6 =	vadd.f32 v18, v12  }
0xe8: {  	v10 =	vld [tilespmem:s23+$0x11800];
	v7 =	vmax.f32 v7, $0.0e+00  }
0xe9: {  	v2 =	vld [tilespmem:s23+$0x17CD0];
	[tilespmem:s23+$0x117B0] =	vst v7;
	v7 =	vadd.f32 v19, v13;
	v6 =	vmax.f32 v6, $0.0e+00  }
0xea: {  	v11 =	vld [tilespmem:s23+$0x11810];
	[tilespmem:s23+$0x117C0] =	vst v6;
	v6 =	vadd.f32 v20, v8  }
0xeb: {  	v12 =	vld [tilespmem:s23+$0x11820];
	v7 =	vmax.f32 v7, $0.0e+00  }
0xec: {  	v1 =	vld [tilespmem:s23+$0x17CE0];
	[tilespmem:s23+$0x117D0] =	vst v7;
	v7 =	vadd.f32 v21, v9;
	v6 =	vmax.f32 v6, $0.0e+00  }
0xed: {  	v13 =	vld [tilespmem:s23+$0x11830];
	[tilespmem:s23+$0x117E0] =	vst v6;
	v6 =	vadd.f32 v22, v10  }
0xee: {  	v8 =	vld [tilespmem:s23+$0x11840];
	v7 =	vmax.f32 v7, $0.0e+00  }
0xef: {  	v0 =	vld [tilespmem:s23+$0x17CF0];
	[tilespmem:s23+$0x117F0] =	vst v7;
	v7 =	vadd.f32 v23, v11;
	v6 =	vmax.f32 v6, $0.0e+00  }
0xf0: {  	v9 =	vld [tilespmem:s23+$0x11850];
	[tilespmem:s23+$0x11800] =	vst v6;
	v6 =	vadd.f32 v24, v12  }
0xf1: {  	v14 =	vld [tilespmem:s23+$0x11860];
	v7 =	vmax.f32 v7, $0.0e+00  }
0xf2: {  	v11 =	vld [tilespmem:s23+$0x11870];
	[tilespmem:s23+$0x11810] =	vst v7;
	v7 =	vadd.f32 v25, v13;
	v6 =	vmax.f32 v6, $0.0e+00  }
0xf3: {  	v12 =	vld [tilespmem:s23+$0x11880];
	[tilespmem:s23+$0x11820] =	vst v6;
	v6 =	vadd.f32 v26, v8  }
0xf4: {  	v15 =	vld [tilespmem:s23+$0x11890];
	v7 =	vmax.f32 v7, $0.0e+00  }
0xf5: {  	v10 =	vld [tilespmem:s23+$0x118A0];
	[tilespmem:s23+$0x11830] =	vst v7;
	v7 =	vadd.f32 v27, v9;
	v6 =	vmax.f32 v6, $0.0e+00  }
0xf6: {  	v9 =	vld [tilespmem:s23+$0x118B0];
	[tilespmem:s23+$0x11840] =	vst v6;
	v6 =	vadd.f32 v28, v14  }
0xf7: {  	v11 =	vadd.f32 v29, v11;
	v8 =	vld [tilespmem:s23+$0x118C0];
	v7 =	vmax.f32 v7, $0.0e+00  }
0xf8: {  	v12 =	vadd.f32 v30, v12;
	[tilespmem:s23+$0x11850] =	vst v7;
	v7 =	vld [tilespmem:s23+$0x118D0];
	v6 =	vmax.f32 v6, $0.0e+00  }
0xf9: {  	s25 =	simm.s32 $0x800;
	v13 =	vmax.f32 v11, $0.0e+00;
	v11 =	vadd.f32 v31, v15;
	[tilespmem:s23+$0x11860] =	vst v6;
	v6 =	vld [tilespmem:s23+$0x118E0]  }
.LBB2_5:
0xfa: {  	s26 =	sshra.s32 s25, $0x2;
	p0 =	sne.s32 s25, $0x18800;
	[tilespmem:s23+$0x11870] =	vst v13;
	v12 =	vmax.f32 v12, $0.0e+00;
	v5 =	vadd.f32 v5, v10;
	v10 =	vld [tilespmem:s23+$0x118F0]  }
0xfb: {  	v13 =	vld [tilespmem:s26+$0x17B00];
	[tilespmem:s23+$0x11880] =	vst v12;
	v11 =	vmax.f32 v11, $0.0e+00;
	v4 =	vadd.f32 v4, v9  }
0xfc: {  	v12 =	vld [tilespmem:s26+$0x17B10];
	[tilespmem:s23+$0x11890] =	vst v11;
	v5 =	vmax.f32 v5, $0.0e+00;
	v3 =	vadd.f32 v3, v8  }
0xfd: {  	v14 =	vld [tilespmem:s26+$0x17B20];
	[tilespmem:s23+$0x118A0] =	vst v5;
	v4 =	vmax.f32 v4, $0.0e+00;
	v2 =	vadd.f32 v2, v7  }
0xfe: {  	v15 =	vld [tilespmem:s26+$0x17B30];
	[tilespmem:s23+$0x118B0] =	vst v4;
	v3 =	vmax.f32 v3, $0.0e+00;
	v1 =	vadd.f32 v1, v6  }
0xff: {  	v16 =	vld [tilespmem:s26+$0x17B40];
	[tilespmem:s23+$0x118C0] =	vst v3;
	v2 =	vmax.f32 v2, $0.0e+00;
	v0 =	vadd.f32 v0, v10  }
0x100: {  	v17 =	vld [tilespmem:s26+$0x17B50];
	[tilespmem:s23+$0x118D0] =	vst v2;
	v1 =	vmax.f32 v1, $0.0e+00  }
0x101: {  	v18 =	vld [tilespmem:s26+$0x17B60];
	[tilespmem:s23+$0x118E0] =	vst v1;
	v0 =	vmax.f32 v0, $0.0e+00  }
0x102: {  	v19 =	vld [tilespmem:s26+$0x17B70];
	[tilespmem:s23+$0x118F0] =	vst v0;
	s23 =	smov.u32 s26  }
0x103: {  	v20 =	vld [tilespmem:s23+$0x17B80]  }
0x104: {  	v21 =	vld [tilespmem:s23+$0x17B90]  }
0x105: {  	v22 =	vld [tilespmem:s23+$0x17BA0]  }
0x106: {  	v23 =	vld [tilespmem:s23+$0x17BB0]  }
0x107: {  	v24 =	vld [tilespmem:s23+$0x17BC0]  }
0x108: {  	v25 =	vld [tilespmem:s23+$0x17BD0]  }
0x109: {  	v26 =	vld [tilespmem:s23+$0x17BE0]  }
0x10a: {  	v27 =	vld [tilespmem:s23+$0x17BF0]  }
0x10b: {  	v28 =	vld [tilespmem:s23+$0x17C00]  }
0x10c: {  	v29 =	vld [tilespmem:s23+$0x17C10]  }
0x10d: {  	v30 =	vld [tilespmem:s23+$0x17C20]  }
0x10e: {  	v31 =	vld [tilespmem:s23+$0x17C30]  }
0x10f: {  	v11 =	vld [tilespmem:s23+$0x17C40]  }
0x110: {  	v10 =	vld [tilespmem:s23+$0x17C50]  }
0x111: {  	v9 =	vld [tilespmem:s23+$0x17C60]  }
0x112: {  	v8 =	vld [tilespmem:s23+$0x17C70]  }
0x113: {  	v7 =	vld [tilespmem:s23+$0x17C80]  }
0x114: {  	v6 =	vld [tilespmem:s23+$0x17C90]  }
0x115: {  	v5 =	vld [tilespmem:s23+$0x17CA0]  }
0x116: {  	v4 =	vld [tilespmem:s23+$0x17CB0]  }
0x117: {  	v3 =	vld [tilespmem:s23+$0x17CC0]  }
0x118: {  	v2 =	vld [tilespmem:s23+$0x17CD0]  }
0x119: {  	v1 =	vld [tilespmem:s23+$0x17CE0]  }
0x11a: {  	v0 =	vld [tilespmem:s23+$0x17CF0]  }
0x11b: {  	v32 =	vld [tilespmem:s23+$0x11700]  }
0x11c: {  	v33 =	vld [tilespmem:s23+$0x11710]  }
0x11d: {  	v34 =	vld [tilespmem:s23+$0x11720]  }
0x11e: {  	v35 =	vld [tilespmem:s23+$0x11730]  }
0x11f: {  	v36 =	vld [tilespmem:s23+$0x11740]  }
0x120: {  	v13 =	vadd.f32 v13, v32;
	v32 =	vld [tilespmem:s23+$0x11750]  }
0x121: {  	v12 =	vadd.f32 v12, v33;
	v33 =	vld [tilespmem:s23+$0x11760]  }
0x122: {  	v13 =	vmax.f32 v13, $0.0e+00;
	v14 =	vadd.f32 v14, v34;
	v34 =	vld [tilespmem:s23+$0x11770]  }
0x123: {  	[tilespmem:s23+$0x11700] =	vst v13;
	v12 =	vmax.f32 v12, $0.0e+00;
	v13 =	vadd.f32 v15, v35;
	v15 =	vld [tilespmem:s23+$0x11780]  }
0x124: {  	[tilespmem:s23+$0x11710] =	vst v12;
	v12 =	vmax.f32 v14, $0.0e+00;
	v14 =	vadd.f32 v16, v36;
	v16 =	vld [tilespmem:s23+$0x11790]  }
0x125: {  	[tilespmem:s23+$0x11720] =	vst v12;
	v12 =	vmax.f32 v13, $0.0e+00;
	v13 =	vadd.f32 v17, v32;
	v17 =	vld [tilespmem:s23+$0x117A0]  }
0x126: {  	[tilespmem:s23+$0x11730] =	vst v12;
	v12 =	vmax.f32 v14, $0.0e+00;
	v14 =	vadd.f32 v18, v33;
	v18 =	vld [tilespmem:s23+$0x117B0]  }
0x127: {  	[tilespmem:s23+$0x11740] =	vst v12;
	v12 =	vmax.f32 v13, $0.0e+00;
	v13 =	vadd.f32 v19, v34;
	v19 =	vld [tilespmem:s23+$0x117C0]  }
0x128: {  	[tilespmem:s23+$0x11750] =	vst v12;
	v12 =	vmax.f32 v14, $0.0e+00;
	v14 =	vadd.f32 v20, v15;
	v15 =	vld [tilespmem:s23+$0x117D0]  }
0x129: {  	[tilespmem:s23+$0x11760] =	vst v12;
	v12 =	vmax.f32 v13, $0.0e+00;
	v13 =	vadd.f32 v21, v16;
	v16 =	vld [tilespmem:s23+$0x117E0]  }
0x12a: {  	[tilespmem:s23+$0x11770] =	vst v12;
	v12 =	vmax.f32 v14, $0.0e+00;
	v14 =	vadd.f32 v22, v17;
	v17 =	vld [tilespmem:s23+$0x117F0]  }
0x12b: {  	[tilespmem:s23+$0x11780] =	vst v12;
	v12 =	vmax.f32 v13, $0.0e+00;
	v13 =	vadd.f32 v23, v18;
	v18 =	vld [tilespmem:s23+$0x11800]  }
0x12c: {  	[tilespmem:s23+$0x11790] =	vst v12;
	v12 =	vmax.f32 v14, $0.0e+00;
	v14 =	vadd.f32 v24, v19;
	v19 =	vld [tilespmem:s23+$0x11810]  }
0x12d: {  	[tilespmem:s23+$0x117A0] =	vst v12;
	v12 =	vmax.f32 v13, $0.0e+00;
	v13 =	vadd.f32 v25, v15;
	v15 =	vld [tilespmem:s23+$0x11820]  }
0x12e: {  	[tilespmem:s23+$0x117B0] =	vst v12;
	v12 =	vmax.f32 v14, $0.0e+00;
	v14 =	vadd.f32 v26, v16;
	v16 =	vld [tilespmem:s23+$0x11830]  }
0x12f: {  	[tilespmem:s23+$0x117C0] =	vst v12;
	v12 =	vmax.f32 v13, $0.0e+00;
	v13 =	vadd.f32 v27, v17;
	v17 =	vld [tilespmem:s23+$0x11840]  }
0x130: {  	[tilespmem:s23+$0x117D0] =	vst v12;
	v12 =	vmax.f32 v14, $0.0e+00;
	v14 =	vadd.f32 v28, v18;
	v18 =	vld [tilespmem:s23+$0x11850]  }
0x131: {  	[tilespmem:s23+$0x117E0] =	vst v12;
	v12 =	vmax.f32 v13, $0.0e+00;
	v13 =	vadd.f32 v29, v19;
	v19 =	vld [tilespmem:s23+$0x11860]  }
0x132: {  	[tilespmem:s23+$0x117F0] =	vst v12;
	v12 =	vmax.f32 v14, $0.0e+00;
	v14 =	vadd.f32 v30, v15;
	v15 =	vld [tilespmem:s23+$0x11870]  }
0x133: {  	[tilespmem:s23+$0x11800] =	vst v12;
	v12 =	vmax.f32 v13, $0.0e+00;
	v13 =	vadd.f32 v31, v16;
	v16 =	vld [tilespmem:s23+$0x11880]  }
0x134: {  	[tilespmem:s23+$0x11810] =	vst v12;
	v12 =	vmax.f32 v14, $0.0e+00;
	v11 =	vadd.f32 v11, v17;
	v14 =	vld [tilespmem:s23+$0x11890]  }
.Ltmp1:
0x135: {  	[tilespmem:s23+$0x11820] =	vst v12;
	v12 =	vmax.f32 v13, $0.0e+00;
	v13 =	vadd.f32 v10, v18;
	v10 =	vld [tilespmem:s23+$0x118A0];
	(pc) =	sbr.rel @p0 .LBB2_5-.Ltmp1, $4  }
0x136: {  	[tilespmem:s23+$0x11830] =	vst v12;
	v11 =	vmax.f32 v11, $0.0e+00;
	v12 =	vadd.f32 v9, v19;
	v9 =	vld [tilespmem:s23+$0x118B0]  }
0x137: {  	[tilespmem:s23+$0x11840] =	vst v11;
	v11 =	vmax.f32 v13, $0.0e+00;
	v13 =	vadd.f32 v8, v15;
	v8 =	vld [tilespmem:s23+$0x118C0]  }
0x138: {  	[tilespmem:s23+$0x11850] =	vst v11;
	v11 =	vmax.f32 v12, $0.0e+00;
	v12 =	vadd.f32 v7, v16;
	v7 =	vld [tilespmem:s23+$0x118D0]  }
0x139: {  	s25 =	sadd.s32 $0x800, s25;
	[tilespmem:s23+$0x11860] =	vst v11;
	v13 =	vmax.f32 v13, $0.0e+00;
	v11 =	vadd.f32 v6, v14;
	v6 =	vld [tilespmem:s23+$0x118E0]  }
0x13a: {  	[tilespmem:s23+$0x11870] =	vst v13;
	v12 =	vmax.f32 v12, $0.0e+00;
	v5 =	vadd.f32 v5, v10;
	v63 =	vld [tilespmem:s23+$0x118F0]  }
0x13b: {  	[tilespmem:s23+$0x11880] =	vst v12;
	v11 =	vmax.f32 v11, $0.0e+00;
	v4 =	vadd.f32 v4, v9  }
0x13c: {  	[tilespmem:s23+$0x11890] =	vst v11;
	v5 =	vmax.f32 v5, $0.0e+00;
	v3 =	vadd.f32 v3, v8  }
0x13d: {  	s22 =	sadd.s32 $0x1, s22;
	[tilespmem:s23+$0x118A0] =	vst v5;
	v4 =	vmax.f32 v4, $0.0e+00;
	v2 =	vadd.f32 v2, v7  }
0x13e: {  	s24 =	smul.u32 $0xC8, s24;
	p0 =	sne.s32 s22, $0x19;
	[tilespmem:s23+$0x118B0] =	vst v4;
	v3 =	vmax.f32 v3, $0.0e+00;
	v1 =	vadd.f32 v1, v6  }
.Ltmp2:
0x13f: {  	[tilespmem:s23+$0x118C0] =	vst v3;
	v2 =	vmax.f32 v2, $0.0e+00;
	v0 =	vadd.f32 v0, v63;
	(pc) =	sbr.rel @p0 .LBB2_2-.Ltmp2, $4  }
0x140: {  	s24 =	sadd.s32 s4, s24;
	[tilespmem:s23+$0x118D0] =	vst v2;
	v1 =	vmax.f32 v1, $0.0e+00  }
0x141: {  	s24 =	sshll.u32 s24, $0x4;
	[tilespmem:s23+$0x118E0] =	vst v1;
	v0 =	vmax.f32 v0, $0.0e+00  }
0x142: {  	s31 =	sadd.s32 s2, s24;
	[tilespmem:s23+$0x118F0] =	vst v0  }
0x143: {  	[hbm4b:s31+s3] =	stream.linear.scatter [tilespmem:s15], [sflag:$0x4], $0x6400, $0x38;
	[tilespmem:$0x1DF00] =	vst v63  }
0x144: {  	s21 =	sadd.s32 $0x1, s21  }
0x145: {  	p0 =	sne.s32 s21, s9  }
.Ltmp3:
0x146: {  	_ = 	snop;
	(pc) =	sbr.rel @p0 .LBB2_1-.Ltmp3, $4  }
0x147: {  	_ = 	snop  }
0x148: {  	_ =	swait.ge [sflag:s20], $0x6400  }
0x149: {  	[sflag:s20] =	ssyncset.done $0x0  }
0x14a: {  	[sflag:s20] =	ssyncadd.s32 $0xFFFF9C00  }
0x14b: {  	_ =	sfence.sel $0x180000  }
0x14c: {  	[bflag:$0x0] =	sbarrier.arrive $0xFFFF  }
0x14d: {  	p0 =	sne.s32 s0, $0x0;
	_ =	strace $0x90000047  }
0x14e: {  	s0 =	sadd.s32 @!p0 $0x100000, s1;
	[bflag:$0x2] =	sbarrier.arrive $0xFFFF  }
0x14f: {  	[sflag:s0] =	ssyncadd.tile.s32 @!p0 $0x1;
	_ =	shalt  }
.Lfunc_end2:
_tile_overlayer_lowered:
.L_overlay_start_2:
0x150: {  	(tag) =	ssettag $0x2  }
0x151: {  	s0 =	rddreg [dreg:$0x0];
	s2 =	stileid.u32  }
0x152: {  	s1 =	rddreg [dreg:$0x1];
	p0 =	sne.s32 s2, $0x0  }
0x153: {  	s3 =	rddreg [dreg:$0x2];
	[bflag:$0x3] =	sbarrier.arrive $0xFFFF;
	s2 =	simm.s32 @!p0 $0x1C05  }
0x154: {  	[timem:s3], [sflag:s2] =	dma.local @!p0 [hbm:s0], s1  }
0x155: {  	s0 =	simm.s32 @!p0 $0x5  }
0x156: {  	_ =	swait.ge @!p0 [sflag:s0], s1  }
0x157: {  	s1 =	ssub.s32 @!p0 $0x0, s1;
	[sflag:s0] =	ssyncset.done @!p0 $0x0  }
0x158: {  	[sflag:s0] =	ssyncadd.s32 @!p0 s1  }
0x159: {  	[bflag:$0x3] =	sbarrier.arrive $0xFFFF  }
0x15a: {  	_ =	shalt  }

</sc_bundles>
